<compile_context>
chip_gen: v7x
topology: tpu7x:2x2x1
jax: 0.10.2.dev20260603
libtpu: 0.0.44.dev20260713+nightly
codegen_flags: <defaults>
</compile_context>

<pallas_src>
import functools

import jax
import jax.numpy as jnp
from jax import lax
from jax.experimental import pallas as pl
from jax.experimental.pallas import tpu as pltpu
from jax.experimental.pallas import tpu_sc as plsc

N = 10000
E = 320000
F = 128
C_OUT = 2

NC = 2
NS = 16
NW = NC * NS
EPT = E // NW
CHUNK = 125
NCHUNK = EPT // CHUNK
N_PAD = 10240
RPS = N_PAD // NS
ZCHUNK = 128
ZCOPIES = RPS // ZCHUNK

DEG_L = 16

_MESH = plsc.VectorSubcoreMesh(core_axis_name="c", subcore_axis_name="s")


@functools.partial(
    pl.kernel,
    out_type=jax.ShapeDtypeStruct((NC, N_PAD, DEG_L), jnp.float32),
    mesh=_MESH,
    compiler_params=pltpu.CompilerParams(use_tc_tiling_on_sc=False),
    scratch_types=[
        pltpu.VMEM((NCHUNK, CHUNK), jnp.int32),
        pltpu.VMEM((CHUNK, DEG_L), jnp.float32),
        pltpu.VMEM((ZCHUNK, DEG_L), jnp.float32),
        pltpu.VMEM_SHARED((N_PAD, DEG_L), jnp.float32),
    ],
)
def _deg_sc(dst_hbm, deg_hbm, dst_v, ones_v, zbuf_v, acc):
    cid = lax.axis_index("c")
    sid = lax.axis_index("s")
    wid = sid * NC + cid

    @pl.loop(0, CHUNK)
    def _(r):
        ones_v[r, :] = jnp.full((DEG_L,), 1.0, jnp.float32)

    @pl.loop(0, ZCHUNK)
    def _(r):
        zbuf_v[r, :] = jnp.zeros((DEG_L,), jnp.float32)

    @pl.loop(0, ZCOPIES)
    def _(k):
        pltpu.sync_copy(zbuf_v, acc.at[pl.ds(sid * RPS + k * ZCHUNK, ZCHUNK)])

    plsc.subcore_barrier()

    pltpu.sync_copy(dst_hbm.at[wid], dst_v)

    @pl.loop(0, NCHUNK)
    def _(j):
        pltpu.sync_copy(ones_v, acc.at[dst_v.at[j]], add=True)

    plsc.subcore_barrier()
    pltpu.sync_copy(acc.at[pl.ds(sid * RPS, RPS)],
                    deg_hbm.at[cid, pl.ds(sid * RPS, RPS)])


FH = F // 2
NCHUNK2 = E // NS // CHUNK


NBUF = 5


@functools.partial(
    pl.kernel,
    out_type=(jax.ShapeDtypeStruct((N_PAD, FH), jnp.float32),
              jax.ShapeDtypeStruct((N_PAD, FH), jnp.float32)),
    mesh=_MESH,
    compiler_params=pltpu.CompilerParams(use_tc_tiling_on_sc=False),
    scratch_types=[
        pltpu.VMEM((NCHUNK2, CHUNK), jnp.int32),
        pltpu.VMEM((NCHUNK2, CHUNK), jnp.int32),
        pltpu.VMEM((NBUF, CHUNK, FH), jnp.float32),
        pltpu.VMEM((ZCHUNK, FH), jnp.float32),
        pltpu.VMEM_SHARED((N_PAD, FH), jnp.float32),
        pltpu.SemaphoreType.DMA,
        pltpu.SemaphoreType.DMA,
    ],
)
def _agg_sc(xs_lo_hbm, xs_hi_hbm, src_hbm, dst_hbm, agg_lo_hbm, agg_hi_hbm,
            src_v, dst_v, buf_v, zbuf_v, acc, sem_g, sem_s):
    cid = lax.axis_index("c")
    sid = lax.axis_index("s")

    @pl.loop(0, ZCHUNK)
    def _(r):
        @pl.loop(0, FH // 16)
        def _(col):
            zbuf_v[r, pl.ds(col * 16, 16)] = jnp.zeros((16,), jnp.float32)

    @pl.loop(0, ZCOPIES)
    def _(k):
        pltpu.sync_copy(zbuf_v, acc.at[pl.ds(sid * RPS + k * ZCHUNK, ZCHUNK)])

    pltpu.sync_copy(src_hbm.at[sid], src_v)
    pltpu.sync_copy(dst_hbm.at[sid], dst_v)
    plsc.subcore_barrier()

    def run(xs_hbm, out_hbm):
        @pl.loop(0, NCHUNK2 // NBUF)
        def _(j8):
            c0 = j8 * NBUF
            for k in range(NBUF):
                @pl.when(j8 > 0)
                def _():
                    pltpu.make_async_copy(
                        buf_v.at[k], acc.at[dst_v.at[c0 + k]], sem_s).wait()
                pltpu.async_copy(xs_hbm.at[src_v.at[c0 + k]], buf_v.at[k], sem_g)
            for k in range(NBUF):
                pltpu.make_async_copy(
                    xs_hbm.at[src_v.at[c0 + k]], buf_v.at[k], sem_g).wait()
                pltpu.async_copy(buf_v.at[k], acc.at[dst_v.at[c0 + k]], sem_s,
                                 add=True)

        for k in range(NBUF):
            pltpu.make_async_copy(buf_v.at[k], acc.at[dst_v.at[k]], sem_s).wait()

        plsc.subcore_barrier()
        pltpu.sync_copy(acc.at[pl.ds(sid * RPS, RPS)],
                        out_hbm.at[pl.ds(sid * RPS, RPS)])

    @pl.when(cid == 0)
    def _():
        run(xs_lo_hbm, agg_lo_hbm)

    @pl.when(cid == 1)
    def _():
        run(xs_hi_hbm, agg_hi_hbm)


BLK = 2000


def _scale_body(nodes_ref, d0_ref, d1_ref, lo_ref, hi_ref):
    d = d0_ref[:, 0:1] + d1_ref[:, 0:1]
    dinv = jnp.where(d > 0, lax.rsqrt(d), 0.0)
    xs = nodes_ref[...] * dinv
    lo_ref[...] = xs[:, :FH]
    hi_ref[...] = xs[:, FH:]


def _scale_call(nodes, d0, d1):
    return pl.pallas_call(
        _scale_body,
        grid=(N // BLK,),
        in_specs=[
            pl.BlockSpec((BLK, F), lambda i: (i, 0)),
            pl.BlockSpec((BLK, DEG_L), lambda i: (i, 0)),
            pl.BlockSpec((BLK, DEG_L), lambda i: (i, 0)),
        ],
        out_specs=[pl.BlockSpec((BLK, FH), lambda i: (i, 0)),
                   pl.BlockSpec((BLK, FH), lambda i: (i, 0))],
        out_shape=[jax.ShapeDtypeStruct((N, FH), jnp.float32),
                   jax.ShapeDtypeStruct((N, FH), jnp.float32)],
    )(nodes, d0, d1)


def _dot(a, b):
    return jnp.dot(a, b, preferred_element_type=jnp.float32)


def _mlp_body(nodes_ref, alo_ref, ahi_ref, d0_ref,
              d1_ref, convWt_ref, convb_ref, fc1Wt_ref, fc1b_ref, fc2Wt_ref,
              fc2b_ref, out_ref):
    d = d0_ref[:, 0:1] + d1_ref[:, 0:1]
    dinv = jnp.where(d > 0, lax.rsqrt(d), 0.0)
    agg_lo = alo_ref[...] * dinv
    agg_hi = ahi_ref[...] * dinv
    conv = (_dot(agg_lo, convWt_ref[:FH, :]) + _dot(agg_hi, convWt_ref[FH:, :])
            + convb_ref[...])
    x = nodes_ref[...]
    z = _dot(x, fc1Wt_ref[:F, :]) + _dot(conv, fc1Wt_ref[F:, :]) + fc1b_ref[...]
    z = jnp.maximum(z, 0.0)
    logits = _dot(z, fc2Wt_ref[...]) + fc2b_ref[...]
    m = jnp.max(logits, axis=1, keepdims=True)
    lse = m + jnp.log(jnp.sum(jnp.exp(logits - m), axis=1, keepdims=True))
    out_ref[...] = logits - lse


def _mlp_call(nodes, alo, ahi, d0, d1, convWt, convb, fc1Wt,
              fc1b, fc2Wt, fc2b):
    full = lambda shape: pl.BlockSpec(shape, lambda i: (0, 0))
    agg_spec = pl.BlockSpec((BLK, FH), lambda i: (i, 0))
    return pl.pallas_call(
        _mlp_body,
        grid=(N // BLK,),
        in_specs=[
            pl.BlockSpec((BLK, F), lambda i: (i, 0)),
            agg_spec, agg_spec,
            pl.BlockSpec((BLK, DEG_L), lambda i: (i, 0)),
            pl.BlockSpec((BLK, DEG_L), lambda i: (i, 0)),
            full((F, F)),
            full((1, F)),
            full((2 * F, F)),
            full((1, F)),
            full((F, C_OUT)),
            full((1, C_OUT)),
        ],
        out_specs=pl.BlockSpec((BLK, C_OUT), lambda i: (i, 0)),
        out_shape=jax.ShapeDtypeStruct((N, C_OUT), jnp.float32),
    )(nodes, alo, ahi, d0, d1, convWt, convb, fc1Wt, fc1b,
      fc2Wt, fc2b)


def kernel(nodes, edge_index, conv_W, conv_b, fc1_W, fc1_b, fc2_W, fc2_b):
    dst32 = edge_index[1].reshape(NW, NCHUNK, CHUNK)
    src16 = edge_index[0].reshape(NS, NCHUNK2, CHUNK)
    dst16 = edge_index[1].reshape(NS, NCHUNK2, CHUNK)

    deg2 = _deg_sc(dst32)
    d0, d1 = deg2[0], deg2[1]

    xs_lo, xs_hi = _scale_call(nodes, d0, d1)
    agg_lo, agg_hi = _agg_sc(xs_lo, xs_hi, src16, dst16)

    return _mlp_call(
        nodes, agg_lo, agg_hi, d0, d1,
        conv_W.T, conv_b.reshape(1, F),
        fc1_W.T, fc1_b.reshape(1, F),
        fc2_W.T, fc2_b.reshape(1, C_OUT),
    )

# --- scband reference (transcript-rebuilt; emitter-appended) ---
"""Pipeline reference for scband-node-model-20126216749316 (READ-ONLY COPY).

The authoritative reference and input builder live on the scoring server;
editing this copy changes nothing except your own understanding.
"""

import jax, jax.numpy as jnp
import numpy as np

N = 10000
E = 320000
F_DIM = 128
C = 2


def setup_inputs(seed: int = 0) -> dict:
    key = jax.random.key(seed)
    ks = jax.random.split(key, 8)
    nodes = jax.random.normal(ks[0], (N, F_DIM), dtype=jnp.float32)
    edge_index = jax.random.randint(ks[1], (2, E), 0, N, dtype=jnp.int32)
    # SGConv linear (in=F, out=F)
    conv_W = jax.random.normal(ks[2], (F_DIM, F_DIM), dtype=jnp.float32) * (1.0 / np.sqrt(F_DIM))
    conv_b = jnp.zeros((F_DIM,), dtype=jnp.float32)
    # fc1: in=2F, out=F
    fc1_W = jax.random.normal(ks[3], (F_DIM, 2 * F_DIM), dtype=jnp.float32) * (1.0 / np.sqrt(2 * F_DIM))
    fc1_b = jnp.zeros((F_DIM,), dtype=jnp.float32)
    # fc2: in=F, out=C
    fc2_W = jax.random.normal(ks[4], (C, F_DIM), dtype=jnp.float32) * (1.0 / np.sqrt(F_DIM))
    fc2_b = jnp.zeros((C,), dtype=jnp.float32)
    return {
        "nodes": nodes,
        "edge_index": edge_index,
        "conv_W": conv_W,
        "conv_b": conv_b,
        "fc1_W": fc1_W,
        "fc1_b": fc1_b,
        "fc2_W": fc2_W,
        "fc2_b": fc2_b,
    }


def reference(nodes, edge_index, conv_W, conv_b, fc1_W, fc1_b, fc2_W, fc2_b):
    n = nodes.shape[0]
    src = edge_index[0]
    dst = edge_index[1]
    # gcn_norm with add_self_loops=False, edge_weight=1
    deg = jnp.zeros((n,), dtype=nodes.dtype).at[dst].add(1.0)
    deg_inv_sqrt = jnp.where(deg > 0, 1.0 / jnp.sqrt(deg), 0.0)
    norm = deg_inv_sqrt[src] * deg_inv_sqrt[dst]
    # K=1 propagation: scatter-add normalized messages at dst
    msgs = nodes[src] * norm[:, None]
    agg = jnp.zeros_like(nodes).at[dst].add(msgs)
    # SGConv final linear
    conv_out = agg @ conv_W.T + conv_b
    # concat local + neighbourhood
    h = jnp.concatenate([nodes, conv_out], axis=1)
    z = jnp.maximum(h @ fc1_W.T + fc1_b, 0.0)
    logits = z @ fc2_W.T + fc2_b
    return jax.nn.log_softmax(logits, axis=1)

if __name__ == "__main__":
    import jax
    _d = setup_inputs()
    print(jax.jit(kernel)(*tuple(_d.values())))

</pallas_src>

<mosaic_0001>
#map = affine_map<(d0, d1) -> (0, 0)>
#map1 = affine_map<(d0, d1) -> (0, 0, 0)>
module attributes {stable_mosaic.version = 14 : i64} {
  func.func @_agg_sc(%arg0: i32, %arg1: i32, %arg2: memref<10000x64xf32, #tpu.memory_space<hbm>>, %arg3: memref<10000x64xf32, #tpu.memory_space<hbm>>, %arg4: memref<16x160x125xi32, #tpu.memory_space<hbm>>, %arg5: memref<16x160x125xi32, #tpu.memory_space<hbm>>, %arg6: memref<10240x64xf32, #tpu.memory_space<hbm>>, %arg7: memref<10240x64xf32, #tpu.memory_space<hbm>>, %arg8: memref<160x125xi32, #tpu.memory_space<vmem>>, %arg9: memref<160x125xi32, #tpu.memory_space<vmem>>, %arg10: memref<5x125x64xf32, #tpu.memory_space<vmem>>, %arg11: memref<128x64xf32, #tpu.memory_space<vmem>>, %arg12: memref<10240x64xf32, #tpu.memory_space<vmem_shared>>, %arg13: memref<!tpu.dma_semaphore, #tpu.memory_space<semaphore_mem>>, %arg14: memref<!tpu.dma_semaphore, #tpu.memory_space<semaphore_mem>>) attributes {dimension_semantics = [#tpu.dimension_semantics<core_parallel>, #tpu.dimension_semantics<subcore_parallel>], iteration_bounds = array<i64: 2, 16>, scalar_prefetch = 0 : i64, scratch_operands = 7 : i64, tpu.core_type = #tpu.core_type<sc_vector_subcore>, window_params = [{transform_indices = #map}, {transform_indices = #map}, {transform_indices = #map1}, {transform_indices = #map1}, {transform_indices = #map}, {transform_indices = #map}]} {
    %scan3A = arith.constant 0 : i32
    %scan3A_0 = arith.constant 128 : i32
    %scan3A_1 = arith.addi %scan3A, %scan3A_0 : i32
    %scan3A_2 = arith.constant 1 : i32
    scf.for %scan3A_16 = %scan3A to %scan3A_1 step %scan3A_2  : i32 {
      %mul3A = arith.constant 1 : i32
      %mul3A_17 = arith.muli %scan3A_16, %mul3A : i32
      %add3A = arith.constant 0 : i32
      %add3A_18 = arith.addi %add3A, %mul3A_17 : i32
      %scan3A_19 = arith.constant 0 : i32
      %scan3A_20 = arith.constant 4 : i32
      %scan3A_21 = arith.addi %scan3A_19, %scan3A_20 : i32
      %scan3A_22 = arith.constant 1 : i32
      scf.for %scan3A_24 = %scan3A_19 to %scan3A_21 step %scan3A_22  : i32 {
        %mul3A_25 = arith.constant 1 : i32
        %mul3A_26 = arith.muli %scan3A_24, %mul3A_25 : i32
        %add3A_27 = arith.constant 0 : i32
        %add3A_28 = arith.addi %add3A_27, %mul3A_26 : i32
        %broadcast_in_dim3A = arith.constant 0.000000e+00 : f32
        %broadcast_in_dim3A_29 = vector.broadcast %broadcast_in_dim3A : f32 to vector<16xf32>
        %mul3A_30 = arith.constant 16 : i32
        %mul3A_31 = arith.muli %add3A_28, %mul3A_30 : i32
        %swap3A = arith.index_cast %add3A_18 : i32 to index
        %swap3A_32 = arith.index_cast %mul3A_31 : i32 to index
        %swap3A_33 = tpu.vector_load %arg11[%swap3A, %swap3A_32] {strides = array<i32>} : memref<128x64xf32, #tpu.memory_space<vmem>>, vector<1x16xf32>,
        %swap3A_34 = vector.shape_cast %swap3A_33 : vector<1x16xf32> to vector<16xf32>
        %swap3A_35 = vector.shape_cast %broadcast_in_dim3A_29 : vector<16xf32> to vector<1x16xf32>
        tpu.vector_store %arg11[%swap3A, %swap3A_32], %swap3A_35 {strides = array<i32>} : memref<128x64xf32, #tpu.memory_space<vmem>>, vector<1x16xf32>,
      }
      %scan3A_23 = arith.constant 4 : i32
    }
    %scan3A_3 = arith.constant 128 : i32
    %scan3A_4 = arith.constant 0 : i32
    %scan3A_5 = arith.constant 5 : i32
    %scan3A_6 = arith.addi %scan3A_4, %scan3A_5 : i32
    %scan3A_7 = arith.constant 1 : i32
    scf.for %scan3A_16 = %scan3A_4 to %scan3A_6 step %scan3A_7  : i32 {
      %mul3A = arith.constant 1 : i32
      %mul3A_17 = arith.muli %scan3A_16, %mul3A : i32
      %add3A = arith.constant 0 : i32
      %add3A_18 = arith.addi %add3A, %mul3A_17 : i32
      %mul3A_19 = arith.constant 640 : i32
      %mul3A_20 = arith.muli %arg1, %mul3A_19 : i32
      %mul3A_21 = arith.constant 128 : i32
      %mul3A_22 = arith.muli %add3A_18, %mul3A_21 : i32
      %add3A_23 = arith.addi %mul3A_20, %mul3A_22 : i32
      "tpu.region"() ({
        %run_scoped3A = tpu.sem_alloc : memref<!tpu.dma_semaphore, #tpu.memory_space<semaphore_mem>>
        %dma_start3A = arith.constant 0 : i32
        %dma_start3A_24 = tpu.memref_slice %arg12[%add3A_23, %dma_start3A] : memref<10240x64xf32, #tpu.memory_space<vmem_shared>> -> memref<128x64xf32, #tpu.memory_space<vmem_shared>>
        %dma_start3A_25 = arith.constant 0 : i32
        %dma_start3A_26 = tpu.memref_slice %arg12[%add3A_23, %dma_start3A_25] : memref<10240x64xf32, #tpu.memory_space<vmem_shared>> -> memref<128x64xf32, #tpu.memory_space<vmem_shared>>
        tpu.enqueue_dma source(%arg11 : memref<128x64xf32, #tpu.memory_space<vmem>>) target(%dma_start3A_26 : memref<128x64xf32, #tpu.memory_space<vmem_shared>>) target_semaphore(%run_scoped3A : memref<!tpu.dma_semaphore, #tpu.memory_space<semaphore_mem>>)
        %dma_wait3A = arith.constant 0 : i32
        %dma_wait3A_27 = tpu.memref_slice %arg12[%add3A_23, %dma_wait3A] : memref<10240x64xf32, #tpu.memory_space<vmem_shared>> -> memref<128x64xf32, #tpu.memory_space<vmem_shared>>
        %dma_wait3A_28 = arith.constant 0 : i32
        %dma_wait3A_29 = tpu.memref_slice %arg12[%add3A_23, %dma_wait3A_28] : memref<10240x64xf32, #tpu.memory_space<vmem_shared>> -> memref<128x64xf32, #tpu.memory_space<vmem_shared>>
        tpu.wait_dma2 semaphore(%run_scoped3A : memref<!tpu.dma_semaphore, #tpu.memory_space<semaphore_mem>>) src(%arg11 : memref<128x64xf32, #tpu.memory_space<vmem>>) dst(%dma_wait3A_29 : memref<128x64xf32, #tpu.memory_space<vmem_shared>>)
        tpu.yield
      }) : () -> ()
    }
    %scan3A_8 = arith.constant 5 : i32
    "tpu.region"() ({
      %run_scoped3A = tpu.sem_alloc : memref<!tpu.dma_semaphore, #tpu.memory_space<semaphore_mem>>
      %dma_start3A = arith.constant 0 : i32
      %dma_start3A_16 = arith.constant 0 : i32
      %dma_start3A_17 = tpu.memref_slice %arg4[%arg1, %dma_start3A, %dma_start3A_16] : memref<16x160x125xi32, #tpu.memory_space<hbm>> -> memref<1x160x125xi32, #tpu.memory_space<hbm>>
      %dma_start3A_18 = tpu.memref_squeeze %dma_start3A_17 : memref<1x160x125xi32, #tpu.memory_space<hbm>> -> memref<160x125xi32, #tpu.memory_space<hbm>>
      %dma_start3A_19 = arith.constant 0 : i32
      %dma_start3A_20 = arith.constant 0 : i32
      %dma_start3A_21 = tpu.memref_slice %arg4[%arg1, %dma_start3A_19, %dma_start3A_20] : memref<16x160x125xi32, #tpu.memory_space<hbm>> -> memref<1x160x125xi32, #tpu.memory_space<hbm>>
      %dma_start3A_22 = tpu.memref_squeeze %dma_start3A_21 : memref<1x160x125xi32, #tpu.memory_space<hbm>> -> memref<160x125xi32, #tpu.memory_space<hbm>>
      tpu.enqueue_dma source(%dma_start3A_22 : memref<160x125xi32, #tpu.memory_space<hbm>>) target(%arg8 : memref<160x125xi32, #tpu.memory_space<vmem>>) target_semaphore(%run_scoped3A : memref<!tpu.dma_semaphore, #tpu.memory_space<semaphore_mem>>)
      %dma_wait3A = arith.constant 0 : i32
      %dma_wait3A_23 = arith.constant 0 : i32
      %dma_wait3A_24 = tpu.memref_slice %arg4[%arg1, %dma_wait3A, %dma_wait3A_23] : memref<16x160x125xi32, #tpu.memory_space<hbm>> -> memref<1x160x125xi32, #tpu.memory_space<hbm>>
      %dma_wait3A_25 = tpu.memref_squeeze %dma_wait3A_24 : memref<1x160x125xi32, #tpu.memory_space<hbm>> -> memref<160x125xi32, #tpu.memory_space<hbm>>
      %dma_wait3A_26 = arith.constant 0 : i32
      %dma_wait3A_27 = arith.constant 0 : i32
      %dma_wait3A_28 = tpu.memref_slice %arg4[%arg1, %dma_wait3A_26, %dma_wait3A_27] : memref<16x160x125xi32, #tpu.memory_space<hbm>> -> memref<1x160x125xi32, #tpu.memory_space<hbm>>
      %dma_wait3A_29 = tpu.memref_squeeze %dma_wait3A_28 : memref<1x160x125xi32, #tpu.memory_space<hbm>> -> memref<160x125xi32, #tpu.memory_space<hbm>>
      tpu.wait_dma2 semaphore(%run_scoped3A : memref<!tpu.dma_semaphore, #tpu.memory_space<semaphore_mem>>) src(%dma_wait3A_29 : memref<160x125xi32, #tpu.memory_space<hbm>>) dst(%arg8 : memref<160x125xi32, #tpu.memory_space<vmem>>)
      tpu.yield
    }) : () -> ()
    "tpu.region"() ({
      %run_scoped3A = tpu.sem_alloc : memref<!tpu.dma_semaphore, #tpu.memory_space<semaphore_mem>>
      %dma_start3A = arith.constant 0 : i32
      %dma_start3A_16 = arith.constant 0 : i32
      %dma_start3A_17 = tpu.memref_slice %arg5[%arg1, %dma_start3A, %dma_start3A_16] : memref<16x160x125xi32, #tpu.memory_space<hbm>> -> memref<1x160x125xi32, #tpu.memory_space<hbm>>
      %dma_start3A_18 = tpu.memref_squeeze %dma_start3A_17 : memref<1x160x125xi32, #tpu.memory_space<hbm>> -> memref<160x125xi32, #tpu.memory_space<hbm>>
      %dma_start3A_19 = arith.constant 0 : i32
      %dma_start3A_20 = arith.constant 0 : i32
      %dma_start3A_21 = tpu.memref_slice %arg5[%arg1, %dma_start3A_19, %dma_start3A_20] : memref<16x160x125xi32, #tpu.memory_space<hbm>> -> memref<1x160x125xi32, #tpu.memory_space<hbm>>
      %dma_start3A_22 = tpu.memref_squeeze %dma_start3A_21 : memref<1x160x125xi32, #tpu.memory_space<hbm>> -> memref<160x125xi32, #tpu.memory_space<hbm>>
      tpu.enqueue_dma source(%dma_start3A_22 : memref<160x125xi32, #tpu.memory_space<hbm>>) target(%arg9 : memref<160x125xi32, #tpu.memory_space<vmem>>) target_semaphore(%run_scoped3A : memref<!tpu.dma_semaphore, #tpu.memory_space<semaphore_mem>>)
      %dma_wait3A = arith.constant 0 : i32
      %dma_wait3A_23 = arith.constant 0 : i32
      %dma_wait3A_24 = tpu.memref_slice %arg5[%arg1, %dma_wait3A, %dma_wait3A_23] : memref<16x160x125xi32, #tpu.memory_space<hbm>> -> memref<1x160x125xi32, #tpu.memory_space<hbm>>
      %dma_wait3A_25 = tpu.memref_squeeze %dma_wait3A_24 : memref<1x160x125xi32, #tpu.memory_space<hbm>> -> memref<160x125xi32, #tpu.memory_space<hbm>>
      %dma_wait3A_26 = arith.constant 0 : i32
      %dma_wait3A_27 = arith.constant 0 : i32
      %dma_wait3A_28 = tpu.memref_slice %arg5[%arg1, %dma_wait3A_26, %dma_wait3A_27] : memref<16x160x125xi32, #tpu.memory_space<hbm>> -> memref<1x160x125xi32, #tpu.memory_space<hbm>>
      %dma_wait3A_29 = tpu.memref_squeeze %dma_wait3A_28 : memref<1x160x125xi32, #tpu.memory_space<hbm>> -> memref<160x125xi32, #tpu.memory_space<hbm>>
      tpu.wait_dma2 semaphore(%run_scoped3A : memref<!tpu.dma_semaphore, #tpu.memory_space<semaphore_mem>>) src(%dma_wait3A_29 : memref<160x125xi32, #tpu.memory_space<hbm>>) dst(%arg9 : memref<160x125xi32, #tpu.memory_space<vmem>>)
      tpu.yield
    }) : () -> ()
    %barrier3A = arith.constant 0 : index
    tpu.barrier barrier_id(%barrier3A)
    %eq3A = arith.constant 0 : i32
    %eq3A_9 = arith.cmpi eq, %arg0, %eq3A : i32
    %convert_element_type3A = arith.extui %eq3A_9 : i1 to i32
    %cond3A = arith.constant 0 : i32
    %cond3A_10 = arith.cmpi ne, %convert_element_type3A, %cond3A : i32
    scf.if %cond3A_10 {
      %scan3A_16 = arith.constant 0 : i32
      %scan3A_17 = arith.constant 32 : i32
      %scan3A_18 = arith.addi %scan3A_16, %scan3A_17 : i32
      %scan3A_19 = arith.constant 1 : i32
      scf.for %scan3A_84 = %scan3A_16 to %scan3A_18 step %scan3A_19  : i32 {
        %mul3A_85 = arith.constant 1 : i32
        %mul3A_86 = arith.muli %scan3A_84, %mul3A_85 : i32
        %add3A = arith.constant 0 : i32
        %add3A_87 = arith.addi %add3A, %mul3A_86 : i32
        %mul3A_88 = arith.constant 5 : i32
        %mul3A_89 = arith.muli %add3A_87, %mul3A_88 : i32
        %gt3A = arith.constant 0 : i32
        %gt3A_90 = arith.cmpi sgt, %add3A_87, %gt3A : i32
        %convert_element_type3A_91 = arith.extui %gt3A_90 : i1 to i32
        %cond3A_92 = arith.constant 0 : i32
        %cond3A_93 = arith.cmpi ne, %convert_element_type3A_91, %cond3A_92 : i32
        scf.if %cond3A_93 {
          %add3A_308 = arith.constant 0 : i32
          %add3A_309 = arith.addi %mul3A_89, %add3A_308 : i32
          %dma_wait3A_310 = arith.constant 0 : i32
          %dma_wait3A_311 = arith.constant 0 : i32
          %dma_wait3A_312 = arith.constant 0 : i32
          %dma_wait3A_313 = tpu.memref_slice %arg10[%dma_wait3A_310, %dma_wait3A_311, %dma_wait3A_312] : memref<5x125x64xf32, #tpu.memory_space<vmem>> -> memref<1x125x64xf32, #tpu.memory_space<vmem>>
          %dma_wait3A_314 = tpu.memref_squeeze %dma_wait3A_313 : memref<1x125x64xf32, #tpu.memory_space<vmem>> -> memref<125x64xf32, #tpu.memory_space<vmem>>
          %dma_wait3A_315 = arith.constant 0 : i32
          %dma_wait3A_316 = tpu.memref_slice %arg9[%add3A_309, %dma_wait3A_315] : memref<160x125xi32, #tpu.memory_space<vmem>> -> memref<1x125xi32, #tpu.memory_space<vmem>>
          %dma_wait3A_317 = tpu.memref_squeeze %dma_wait3A_316 : memref<1x125xi32, #tpu.memory_space<vmem>> -> memref<125xi32, #tpu.memory_space<vmem>>
          %dma_wait3A_318 = arith.constant 0 : i32
          %dma_wait3A_319 = arith.constant 0 : i32
          %dma_wait3A_320 = tpu.memref_slice %arg12[%dma_wait3A_318, %dma_wait3A_319] : memref<10240x64xf32, #tpu.memory_space<vmem_shared>> -> memref<10240x64xf32, #tpu.memory_space<vmem_shared>>
          tpu.wait_indirect_dma semaphore(%arg14 : memref<!tpu.dma_semaphore, #tpu.memory_space<semaphore_mem>>) src(%dma_wait3A_314 : memref<125x64xf32, #tpu.memory_space<vmem>>) dst(%dma_wait3A_320 : memref<10240x64xf32, #tpu.memory_space<vmem_shared>>)
        } else {
        }
        %add3A_94 = arith.constant 0 : i32
        %add3A_95 = arith.addi %mul3A_89, %add3A_94 : i32
        %dma_start3A = arith.constant 0 : i32
        %dma_start3A_96 = arith.constant 0 : i32
        %dma_start3A_97 = arith.constant 0 : i32
        %dma_start3A_98 = tpu.memref_slice %arg10[%dma_start3A, %dma_start3A_96, %dma_start3A_97] : memref<5x125x64xf32, #tpu.memory_space<vmem>> -> memref<1x125x64xf32, #tpu.memory_space<vmem>>
        %dma_start3A_99 = tpu.memref_squeeze %dma_start3A_98 : memref<1x125x64xf32, #tpu.memory_space<vmem>> -> memref<125x64xf32, #tpu.memory_space<vmem>>
        %dma_start3A_100 = arith.constant 0 : i32
        %dma_start3A_101 = tpu.memref_slice %arg8[%add3A_95, %dma_start3A_100] : memref<160x125xi32, #tpu.memory_space<vmem>> -> memref<1x125xi32, #tpu.memory_space<vmem>>
        %dma_start3A_102 = tpu.memref_squeeze %dma_start3A_101 : memref<1x125xi32, #tpu.memory_space<vmem>> -> memref<125xi32, #tpu.memory_space<vmem>>
        %dma_start3A_103 = arith.constant 0 : i32
        %dma_start3A_104 = arith.constant 0 : i32
        %dma_start3A_105 = tpu.memref_slice %arg2[%dma_start3A_103, %dma_start3A_104] : memref<10000x64xf32, #tpu.memory_space<hbm>> -> memref<10000x64xf32, #tpu.memory_space<hbm>>
        tpu.enqueue_indirect_dma source(%dma_start3A_105 : memref<10000x64xf32, #tpu.memory_space<hbm>>) target(%dma_start3A_99 : memref<125x64xf32, #tpu.memory_space<vmem>>) offsets(%dma_start3A_102 : memref<125xi32, #tpu.memory_space<vmem>>) semaphore(%arg13 : memref<!tpu.dma_semaphore, #tpu.memory_space<semaphore_mem>>)
        %gt3A_106 = arith.constant 0 : i32
        %gt3A_107 = arith.cmpi sgt, %add3A_87, %gt3A_106 : i32
        %convert_element_type3A_108 = arith.extui %gt3A_107 : i1 to i32
        %cond3A_109 = arith.constant 0 : i32
        %cond3A_110 = arith.cmpi ne, %convert_element_type3A_108, %cond3A_109 : i32
        scf.if %cond3A_110 {
          %add3A_308 = arith.constant 1 : i32
          %add3A_309 = arith.addi %mul3A_89, %add3A_308 : i32
          %dma_wait3A_310 = arith.constant 1 : i32
          %dma_wait3A_311 = arith.constant 0 : i32
          %dma_wait3A_312 = arith.constant 0 : i32
          %dma_wait3A_313 = tpu.memref_slice %arg10[%dma_wait3A_310, %dma_wait3A_311, %dma_wait3A_312] : memref<5x125x64xf32, #tpu.memory_space<vmem>> -> memref<1x125x64xf32, #tpu.memory_space<vmem>>
          %dma_wait3A_314 = tpu.memref_squeeze %dma_wait3A_313 : memref<1x125x64xf32, #tpu.memory_space<vmem>> -> memref<125x64xf32, #tpu.memory_space<vmem>>
          %dma_wait3A_315 = arith.constant 0 : i32
          %dma_wait3A_316 = tpu.memref_slice %arg9[%add3A_309, %dma_wait3A_315] : memref<160x125xi32, #tpu.memory_space<vmem>> -> memref<1x125xi32, #tpu.memory_space<vmem>>
          %dma_wait3A_317 = tpu.memref_squeeze %dma_wait3A_316 : memref<1x125xi32, #tpu.memory_space<vmem>> -> memref<125xi32, #tpu.memory_space<vmem>>
          %dma_wait3A_318 = arith.constant 0 : i32
          %dma_wait3A_319 = arith.constant 0 : i32
          %dma_wait3A_320 = tpu.memref_slice %arg12[%dma_wait3A_318, %dma_wait3A_319] : memref<10240x64xf32, #tpu.memory_space<vmem_shared>> -> memref<10240x64xf32, #tpu.memory_space<vmem_shared>>
          tpu.wait_indirect_dma semaphore(%arg14 : memref<!tpu.dma_semaphore, #tpu.memory_space<semaphore_mem>>) src(%dma_wait3A_314 : memref<125x64xf32, #tpu.memory_space<vmem>>) dst(%dma_wait3A_320 : memref<10240x64xf32, #tpu.memory_space<vmem_shared>>)
        } else {
        }
        %add3A_111 = arith.constant 1 : i32
        %add3A_112 = arith.addi %mul3A_89, %add3A_111 : i32
        %dma_start3A_113 = arith.constant 1 : i32
        %dma_start3A_114 = arith.constant 0 : i32
        %dma_start3A_115 = arith.constant 0 : i32
        %dma_start3A_116 = tpu.memref_slice %arg10[%dma_start3A_113, %dma_start3A_114, %dma_start3A_115] : memref<5x125x64xf32, #tpu.memory_space<vmem>> -> memref<1x125x64xf32, #tpu.memory_space<vmem>>
        %dma_start3A_117 = tpu.memref_squeeze %dma_start3A_116 : memref<1x125x64xf32, #tpu.memory_space<vmem>> -> memref<125x64xf32, #tpu.memory_space<vmem>>
        %dma_start3A_118 = arith.constant 0 : i32
        %dma_start3A_119 = tpu.memref_slice %arg8[%add3A_112, %dma_start3A_118] : memref<160x125xi32, #tpu.memory_space<vmem>> -> memref<1x125xi32, #tpu.memory_space<vmem>>
        %dma_start3A_120 = tpu.memref_squeeze %dma_start3A_119 : memref<1x125xi32, #tpu.memory_space<vmem>> -> memref<125xi32, #tpu.memory_space<vmem>>
        %dma_start3A_121 = arith.constant 0 : i32
        %dma_start3A_122 = arith.constant 0 : i32
        %dma_start3A_123 = tpu.memref_slice %arg2[%dma_start3A_121, %dma_start3A_122] : memref<10000x64xf32, #tpu.memory_space<hbm>> -> memref<10000x64xf32, #tpu.memory_space<hbm>>
        tpu.enqueue_indirect_dma source(%dma_start3A_123 : memref<10000x64xf32, #tpu.memory_space<hbm>>) target(%dma_start3A_117 : memref<125x64xf32, #tpu.memory_space<vmem>>) offsets(%dma_start3A_120 : memref<125xi32, #tpu.memory_space<vmem>>) semaphore(%arg13 : memref<!tpu.dma_semaphore, #tpu.memory_space<semaphore_mem>>)
        %gt3A_124 = arith.constant 0 : i32
        %gt3A_125 = arith.cmpi sgt, %add3A_87, %gt3A_124 : i32
        %convert_element_type3A_126 = arith.extui %gt3A_125 : i1 to i32
        %cond3A_127 = arith.constant 0 : i32
        %cond3A_128 = arith.cmpi ne, %convert_element_type3A_126, %cond3A_127 : i32
        scf.if %cond3A_128 {
          %add3A_308 = arith.constant 2 : i32
          %add3A_309 = arith.addi %mul3A_89, %add3A_308 : i32
          %dma_wait3A_310 = arith.constant 2 : i32
          %dma_wait3A_311 = arith.constant 0 : i32
          %dma_wait3A_312 = arith.constant 0 : i32
          %dma_wait3A_313 = tpu.memref_slice %arg10[%dma_wait3A_310, %dma_wait3A_311, %dma_wait3A_312] : memref<5x125x64xf32, #tpu.memory_space<vmem>> -> memref<1x125x64xf32, #tpu.memory_space<vmem>>
          %dma_wait3A_314 = tpu.memref_squeeze %dma_wait3A_313 : memref<1x125x64xf32, #tpu.memory_space<vmem>> -> memref<125x64xf32, #tpu.memory_space<vmem>>
          %dma_wait3A_315 = arith.constant 0 : i32
          %dma_wait3A_316 = tpu.memref_slice %arg9[%add3A_309, %dma_wait3A_315] : memref<160x125xi32, #tpu.memory_space<vmem>> -> memref<1x125xi32, #tpu.memory_space<vmem>>
          %dma_wait3A_317 = tpu.memref_squeeze %dma_wait3A_316 : memref<1x125xi32, #tpu.memory_space<vmem>> -> memref<125xi32, #tpu.memory_space<vmem>>
          %dma_wait3A_318 = arith.constant 0 : i32
          %dma_wait3A_319 = arith.constant 0 : i32
          %dma_wait3A_320 = tpu.memref_slice %arg12[%dma_wait3A_318, %dma_wait3A_319] : memref<10240x64xf32, #tpu.memory_space<vmem_shared>> -> memref<10240x64xf32, #tpu.memory_space<vmem_shared>>
          tpu.wait_indirect_dma semaphore(%arg14 : memref<!tpu.dma_semaphore, #tpu.memory_space<semaphore_mem>>) src(%dma_wait3A_314 : memref<125x64xf32, #tpu.memory_space<vmem>>) dst(%dma_wait3A_320 : memref<10240x64xf32, #tpu.memory_space<vmem_shared>>)
        } else {
        }
        %add3A_129 = arith.constant 2 : i32
        %add3A_130 = arith.addi %mul3A_89, %add3A_129 : i32
        %dma_start3A_131 = arith.constant 2 : i32
        %dma_start3A_132 = arith.constant 0 : i32
        %dma_start3A_133 = arith.constant 0 : i32
        %dma_start3A_134 = tpu.memref_slice %arg10[%dma_start3A_131, %dma_start3A_132, %dma_start3A_133] : memref<5x125x64xf32, #tpu.memory_space<vmem>> -> memref<1x125x64xf32, #tpu.memory_space<vmem>>
        %dma_start3A_135 = tpu.memref_squeeze %dma_start3A_134 : memref<1x125x64xf32, #tpu.memory_space<vmem>> -> memref<125x64xf32, #tpu.memory_space<vmem>>
        %dma_start3A_136 = arith.constant 0 : i32
        %dma_start3A_137 = tpu.memref_slice %arg8[%add3A_130, %dma_start3A_136] : memref<160x125xi32, #tpu.memory_space<vmem>> -> memref<1x125xi32, #tpu.memory_space<vmem>>
        %dma_start3A_138 = tpu.memref_squeeze %dma_start3A_137 : memref<1x125xi32, #tpu.memory_space<vmem>> -> memref<125xi32, #tpu.memory_space<vmem>>
        %dma_start3A_139 = arith.constant 0 : i32
        %dma_start3A_140 = arith.constant 0 : i32
        %dma_start3A_141 = tpu.memref_slice %arg2[%dma_start3A_139, %dma_start3A_140] : memref<10000x64xf32, #tpu.memory_space<hbm>> -> memref<10000x64xf32, #tpu.memory_space<hbm>>
        tpu.enqueue_indirect_dma source(%dma_start3A_141 : memref<10000x64xf32, #tpu.memory_space<hbm>>) target(%dma_start3A_135 : memref<125x64xf32, #tpu.memory_space<vmem>>) offsets(%dma_start3A_138 : memref<125xi32, #tpu.memory_space<vmem>>) semaphore(%arg13 : memref<!tpu.dma_semaphore, #tpu.memory_space<semaphore_mem>>)
        %gt3A_142 = arith.constant 0 : i32
        %gt3A_143 = arith.cmpi sgt, %add3A_87, %gt3A_142 : i32
        %convert_element_type3A_144 = arith.extui %gt3A_143 : i1 to i32
        %cond3A_145 = arith.constant 0 : i32
        %cond3A_146 = arith.cmpi ne, %convert_element_type3A_144, %cond3A_145 : i32
        scf.if %cond3A_146 {
          %add3A_308 = arith.constant 3 : i32
          %add3A_309 = arith.addi %mul3A_89, %add3A_308 : i32
          %dma_wait3A_310 = arith.constant 3 : i32
          %dma_wait3A_311 = arith.constant 0 : i32
          %dma_wait3A_312 = arith.constant 0 : i32
          %dma_wait3A_313 = tpu.memref_slice %arg10[%dma_wait3A_310, %dma_wait3A_311, %dma_wait3A_312] : memref<5x125x64xf32, #tpu.memory_space<vmem>> -> memref<1x125x64xf32, #tpu.memory_space<vmem>>
          %dma_wait3A_314 = tpu.memref_squeeze %dma_wait3A_313 : memref<1x125x64xf32, #tpu.memory_space<vmem>> -> memref<125x64xf32, #tpu.memory_space<vmem>>
          %dma_wait3A_315 = arith.constant 0 : i32
          %dma_wait3A_316 = tpu.memref_slice %arg9[%add3A_309, %dma_wait3A_315] : memref<160x125xi32, #tpu.memory_space<vmem>> -> memref<1x125xi32, #tpu.memory_space<vmem>>
          %dma_wait3A_317 = tpu.memref_squeeze %dma_wait3A_316 : memref<1x125xi32, #tpu.memory_space<vmem>> -> memref<125xi32, #tpu.memory_space<vmem>>
          %dma_wait3A_318 = arith.constant 0 : i32
          %dma_wait3A_319 = arith.constant 0 : i32
          %dma_wait3A_320 = tpu.memref_slice %arg12[%dma_wait3A_318, %dma_wait3A_319] : memref<10240x64xf32, #tpu.memory_space<vmem_shared>> -> memref<10240x64xf32, #tpu.memory_space<vmem_shared>>
          tpu.wait_indirect_dma semaphore(%arg14 : memref<!tpu.dma_semaphore, #tpu.memory_space<semaphore_mem>>) src(%dma_wait3A_314 : memref<125x64xf32, #tpu.memory_space<vmem>>) dst(%dma_wait3A_320 : memref<10240x64xf32, #tpu.memory_space<vmem_shared>>)
        } else {
        }
        %add3A_147 = arith.constant 3 : i32
        %add3A_148 = arith.addi %mul3A_89, %add3A_147 : i32
        %dma_start3A_149 = arith.constant 3 : i32
        %dma_start3A_150 = arith.constant 0 : i32
        %dma_start3A_151 = arith.constant 0 : i32
        %dma_start3A_152 = tpu.memref_slice %arg10[%dma_start3A_149, %dma_start3A_150, %dma_start3A_151] : memref<5x125x64xf32, #tpu.memory_space<vmem>> -> memref<1x125x64xf32, #tpu.memory_space<vmem>>
        %dma_start3A_153 = tpu.memref_squeeze %dma_start3A_152 : memref<1x125x64xf32, #tpu.memory_space<vmem>> -> memref<125x64xf32, #tpu.memory_space<vmem>>
        %dma_start3A_154 = arith.constant 0 : i32
        %dma_start3A_155 = tpu.memref_slice %arg8[%add3A_148, %dma_start3A_154] : memref<160x125xi32, #tpu.memory_space<vmem>> -> memref<1x125xi32, #tpu.memory_space<vmem>>
        %dma_start3A_156 = tpu.memref_squeeze %dma_start3A_155 : memref<1x125xi32, #tpu.memory_space<vmem>> -> memref<125xi32, #tpu.memory_space<vmem>>
        %dma_start3A_157 = arith.constant 0 : i32
        %dma_start3A_158 = arith.constant 0 : i32
        %dma_start3A_159 = tpu.memref_slice %arg2[%dma_start3A_157, %dma_start3A_158] : memref<10000x64xf32, #tpu.memory_space<hbm>> -> memref<10000x64xf32, #tpu.memory_space<hbm>>
        tpu.enqueue_indirect_dma source(%dma_start3A_159 : memref<10000x64xf32, #tpu.memory_space<hbm>>) target(%dma_start3A_153 : memref<125x64xf32, #tpu.memory_space<vmem>>) offsets(%dma_start3A_156 : memref<125xi32, #tpu.memory_space<vmem>>) semaphore(%arg13 : memref<!tpu.dma_semaphore, #tpu.memory_space<semaphore_mem>>)
        %gt3A_160 = arith.constant 0 : i32
        %gt3A_161 = arith.cmpi sgt, %add3A_87, %gt3A_160 : i32
        %convert_element_type3A_162 = arith.extui %gt3A_161 : i1 to i32
        %cond3A_163 = arith.constant 0 : i32
        %cond3A_164 = arith.cmpi ne, %convert_element_type3A_162, %cond3A_163 : i32
        scf.if %cond3A_164 {
          %add3A_308 = arith.constant 4 : i32
          %add3A_309 = arith.addi %mul3A_89, %add3A_308 : i32
          %dma_wait3A_310 = arith.constant 4 : i32
          %dma_wait3A_311 = arith.constant 0 : i32
          %dma_wait3A_312 = arith.constant 0 : i32
          %dma_wait3A_313 = tpu.memref_slice %arg10[%dma_wait3A_310, %dma_wait3A_311, %dma_wait3A_312] : memref<5x125x64xf32, #tpu.memory_space<vmem>> -> memref<1x125x64xf32, #tpu.memory_space<vmem>>
          %dma_wait3A_314 = tpu.memref_squeeze %dma_wait3A_313 : memref<1x125x64xf32, #tpu.memory_space<vmem>> -> memref<125x64xf32, #tpu.memory_space<vmem>>
          %dma_wait3A_315 = arith.constant 0 : i32
          %dma_wait3A_316 = tpu.memref_slice %arg9[%add3A_309, %dma_wait3A_315] : memref<160x125xi32, #tpu.memory_space<vmem>> -> memref<1x125xi32, #tpu.memory_space<vmem>>
          %dma_wait3A_317 = tpu.memref_squeeze %dma_wait3A_316 : memref<1x125xi32, #tpu.memory_space<vmem>> -> memref<125xi32, #tpu.memory_space<vmem>>
          %dma_wait3A_318 = arith.constant 0 : i32
          %dma_wait3A_319 = arith.constant 0 : i32
          %dma_wait3A_320 = tpu.memref_slice %arg12[%dma_wait3A_318, %dma_wait3A_319] : memref<10240x64xf32, #tpu.memory_space<vmem_shared>> -> memref<10240x64xf32, #tpu.memory_space<vmem_shared>>
          tpu.wait_indirect_dma semaphore(%arg14 : memref<!tpu.dma_semaphore, #tpu.memory_space<semaphore_mem>>) src(%dma_wait3A_314 : memref<125x64xf32, #tpu.memory_space<vmem>>) dst(%dma_wait3A_320 : memref<10240x64xf32, #tpu.memory_space<vmem_shared>>)
        } else {
        }
        %add3A_165 = arith.constant 4 : i32
        %add3A_166 = arith.addi %mul3A_89, %add3A_165 : i32
        %dma_start3A_167 = arith.constant 4 : i32
        %dma_start3A_168 = arith.constant 0 : i32
        %dma_start3A_169 = arith.constant 0 : i32
        %dma_start3A_170 = tpu.memref_slice %arg10[%dma_start3A_167, %dma_start3A_168, %dma_start3A_169] : memref<5x125x64xf32, #tpu.memory_space<vmem>> -> memref<1x125x64xf32, #tpu.memory_space<vmem>>
        %dma_start3A_171 = tpu.memref_squeeze %dma_start3A_170 : memref<1x125x64xf32, #tpu.memory_space<vmem>> -> memref<125x64xf32, #tpu.memory_space<vmem>>
        %dma_start3A_172 = arith.constant 0 : i32
        %dma_start3A_173 = tpu.memref_slice %arg8[%add3A_166, %dma_start3A_172] : memref<160x125xi32, #tpu.memory_space<vmem>> -> memref<1x125xi32, #tpu.memory_space<vmem>>
        %dma_start3A_174 = tpu.memref_squeeze %dma_start3A_173 : memref<1x125xi32, #tpu.memory_space<vmem>> -> memref<125xi32, #tpu.memory_space<vmem>>
        %dma_start3A_175 = arith.constant 0 : i32
        %dma_start3A_176 = arith.constant 0 : i32
        %dma_start3A_177 = tpu.memref_slice %arg2[%dma_start3A_175, %dma_start3A_176] : memref<10000x64xf32, #tpu.memory_space<hbm>> -> memref<10000x64xf32, #tpu.memory_space<hbm>>
        tpu.enqueue_indirect_dma source(%dma_start3A_177 : memref<10000x64xf32, #tpu.memory_space<hbm>>) target(%dma_start3A_171 : memref<125x64xf32, #tpu.memory_space<vmem>>) offsets(%dma_start3A_174 : memref<125xi32, #tpu.memory_space<vmem>>) semaphore(%arg13 : memref<!tpu.dma_semaphore, #tpu.memory_space<semaphore_mem>>)
        %add3A_178 = arith.constant 0 : i32
        %add3A_179 = arith.addi %mul3A_89, %add3A_178 : i32
        %dma_wait3A_180 = arith.constant 0 : i32
        %dma_wait3A_181 = arith.constant 0 : i32
        %dma_wait3A_182 = arith.constant 0 : i32
        %dma_wait3A_183 = tpu.memref_slice %arg10[%dma_wait3A_180, %dma_wait3A_181, %dma_wait3A_182] : memref<5x125x64xf32, #tpu.memory_space<vmem>> -> memref<1x125x64xf32, #tpu.memory_space<vmem>>
        %dma_wait3A_184 = tpu.memref_squeeze %dma_wait3A_183 : memref<1x125x64xf32, #tpu.memory_space<vmem>> -> memref<125x64xf32, #tpu.memory_space<vmem>>
        %dma_wait3A_185 = arith.constant 0 : i32
        %dma_wait3A_186 = tpu.memref_slice %arg8[%add3A_179, %dma_wait3A_185] : memref<160x125xi32, #tpu.memory_space<vmem>> -> memref<1x125xi32, #tpu.memory_space<vmem>>
        %dma_wait3A_187 = tpu.memref_squeeze %dma_wait3A_186 : memref<1x125xi32, #tpu.memory_space<vmem>> -> memref<125xi32, #tpu.memory_space<vmem>>
        %dma_wait3A_188 = arith.constant 0 : i32
        %dma_wait3A_189 = arith.constant 0 : i32
        %dma_wait3A_190 = tpu.memref_slice %arg2[%dma_wait3A_188, %dma_wait3A_189] : memref<10000x64xf32, #tpu.memory_space<hbm>> -> memref<10000x64xf32, #tpu.memory_space<hbm>>
        tpu.wait_indirect_dma semaphore(%arg13 : memref<!tpu.dma_semaphore, #tpu.memory_space<semaphore_mem>>) src(%dma_wait3A_190 : memref<10000x64xf32, #tpu.memory_space<hbm>>) dst(%dma_wait3A_184 : memref<125x64xf32, #tpu.memory_space<vmem>>)
        %add3A_191 = arith.constant 0 : i32
        %add3A_192 = arith.addi %mul3A_89, %add3A_191 : i32
        %dma_start3A_193 = arith.constant 0 : i32
        %dma_start3A_194 = arith.constant 0 : i32
        %dma_start3A_195 = arith.constant 0 : i32
        %dma_start3A_196 = tpu.memref_slice %arg10[%dma_start3A_193, %dma_start3A_194, %dma_start3A_195] : memref<5x125x64xf32, #tpu.memory_space<vmem>> -> memref<1x125x64xf32, #tpu.memory_space<vmem>>
        %dma_start3A_197 = tpu.memref_squeeze %dma_start3A_196 : memref<1x125x64xf32, #tpu.memory_space<vmem>> -> memref<125x64xf32, #tpu.memory_space<vmem>>
        %dma_start3A_198 = arith.constant 0 : i32
        %dma_start3A_199 = tpu.memref_slice %arg9[%add3A_192, %dma_start3A_198] : memref<160x125xi32, #tpu.memory_space<vmem>> -> memref<1x125xi32, #tpu.memory_space<vmem>>
        %dma_start3A_200 = tpu.memref_squeeze %dma_start3A_199 : memref<1x125xi32, #tpu.memory_space<vmem>> -> memref<125xi32, #tpu.memory_space<vmem>>
        %dma_start3A_201 = arith.constant 0 : i32
        %dma_start3A_202 = arith.constant 0 : i32
        %dma_start3A_203 = tpu.memref_slice %arg12[%dma_start3A_201, %dma_start3A_202] : memref<10240x64xf32, #tpu.memory_space<vmem_shared>> -> memref<10240x64xf32, #tpu.memory_space<vmem_shared>>
        tpu.enqueue_indirect_dma source(%dma_start3A_197 : memref<125x64xf32, #tpu.memory_space<vmem>>) target(%dma_start3A_203 : memref<10240x64xf32, #tpu.memory_space<vmem_shared>>) offsets(%dma_start3A_200 : memref<125xi32, #tpu.memory_space<vmem>>) semaphore(%arg14 : memref<!tpu.dma_semaphore, #tpu.memory_space<semaphore_mem>>) {add = true}
        %add3A_204 = arith.constant 1 : i32
        %add3A_205 = arith.addi %mul3A_89, %add3A_204 : i32
        %dma_wait3A_206 = arith.constant 1 : i32
        %dma_wait3A_207 = arith.constant 0 : i32
        %dma_wait3A_208 = arith.constant 0 : i32
        %dma_wait3A_209 = tpu.memref_slice %arg10[%dma_wait3A_206, %dma_wait3A_207, %dma_wait3A_208] : memref<5x125x64xf32, #tpu.memory_space<vmem>> -> memref<1x125x64xf32, #tpu.memory_space<vmem>>
        %dma_wait3A_210 = tpu.memref_squeeze %dma_wait3A_209 : memref<1x125x64xf32, #tpu.memory_space<vmem>> -> memref<125x64xf32, #tpu.memory_space<vmem>>
        %dma_wait3A_211 = arith.constant 0 : i32
        %dma_wait3A_212 = tpu.memref_slice %arg8[%add3A_205, %dma_wait3A_211] : memref<160x125xi32, #tpu.memory_space<vmem>> -> memref<1x125xi32, #tpu.memory_space<vmem>>
        %dma_wait3A_213 = tpu.memref_squeeze %dma_wait3A_212 : memref<1x125xi32, #tpu.memory_space<vmem>> -> memref<125xi32, #tpu.memory_space<vmem>>
        %dma_wait3A_214 = arith.constant 0 : i32
        %dma_wait3A_215 = arith.constant 0 : i32
        %dma_wait3A_216 = tpu.memref_slice %arg2[%dma_wait3A_214, %dma_wait3A_215] : memref<10000x64xf32, #tpu.memory_space<hbm>> -> memref<10000x64xf32, #tpu.memory_space<hbm>>
        tpu.wait_indirect_dma semaphore(%arg13 : memref<!tpu.dma_semaphore, #tpu.memory_space<semaphore_mem>>) src(%dma_wait3A_216 : memref<10000x64xf32, #tpu.memory_space<hbm>>) dst(%dma_wait3A_210 : memref<125x64xf32, #tpu.memory_space<vmem>>)
        %add3A_217 = arith.constant 1 : i32
        %add3A_218 = arith.addi %mul3A_89, %add3A_217 : i32
        %dma_start3A_219 = arith.constant 1 : i32
        %dma_start3A_220 = arith.constant 0 : i32
        %dma_start3A_221 = arith.constant 0 : i32
        %dma_start3A_222 = tpu.memref_slice %arg10[%dma_start3A_219, %dma_start3A_220, %dma_start3A_221] : memref<5x125x64xf32, #tpu.memory_space<vmem>> -> memref<1x125x64xf32, #tpu.memory_space<vmem>>
        %dma_start3A_223 = tpu.memref_squeeze %dma_start3A_222 : memref<1x125x64xf32, #tpu.memory_space<vmem>> -> memref<125x64xf32, #tpu.memory_space<vmem>>
        %dma_start3A_224 = arith.constant 0 : i32
        %dma_start3A_225 = tpu.memref_slice %arg9[%add3A_218, %dma_start3A_224] : memref<160x125xi32, #tpu.memory_space<vmem>> -> memref<1x125xi32, #tpu.memory_space<vmem>>
        %dma_start3A_226 = tpu.memref_squeeze %dma_start3A_225 : memref<1x125xi32, #tpu.memory_space<vmem>> -> memref<125xi32, #tpu.memory_space<vmem>>
        %dma_start3A_227 = arith.constant 0 : i32
        %dma_start3A_228 = arith.constant 0 : i32
        %dma_start3A_229 = tpu.memref_slice %arg12[%dma_start3A_227, %dma_start3A_228] : memref<10240x64xf32, #tpu.memory_space<vmem_shared>> -> memref<10240x64xf32, #tpu.memory_space<vmem_shared>>
        tpu.enqueue_indirect_dma source(%dma_start3A_223 : memref<125x64xf32, #tpu.memory_space<vmem>>) target(%dma_start3A_229 : memref<10240x64xf32, #tpu.memory_space<vmem_shared>>) offsets(%dma_start3A_226 : memref<125xi32, #tpu.memory_space<vmem>>) semaphore(%arg14 : memref<!tpu.dma_semaphore, #tpu.memory_space<semaphore_mem>>) {add = true}
        %add3A_230 = arith.constant 2 : i32
        %add3A_231 = arith.addi %mul3A_89, %add3A_230 : i32
        %dma_wait3A_232 = arith.constant 2 : i32
        %dma_wait3A_233 = arith.constant 0 : i32
        %dma_wait3A_234 = arith.constant 0 : i32
        %dma_wait3A_235 = tpu.memref_slice %arg10[%dma_wait3A_232, %dma_wait3A_233, %dma_wait3A_234] : memref<5x125x64xf32, #tpu.memory_space<vmem>> -> memref<1x125x64xf32, #tpu.memory_space<vmem>>
        %dma_wait3A_236 = tpu.memref_squeeze %dma_wait3A_235 : memref<1x125x64xf32, #tpu.memory_space<vmem>> -> memref<125x64xf32, #tpu.memory_space<vmem>>
        %dma_wait3A_237 = arith.constant 0 : i32
        %dma_wait3A_238 = tpu.memref_slice %arg8[%add3A_231, %dma_wait3A_237] : memref<160x125xi32, #tpu.memory_space<vmem>> -> memref<1x125xi32, #tpu.memory_space<vmem>>
        %dma_wait3A_239 = tpu.memref_squeeze %dma_wait3A_238 : memref<1x125xi32, #tpu.memory_space<vmem>> -> memref<125xi32, #tpu.memory_space<vmem>>
        %dma_wait3A_240 = arith.constant 0 : i32
        %dma_wait3A_241 = arith.constant 0 : i32
        %dma_wait3A_242 = tpu.memref_slice %arg2[%dma_wait3A_240, %dma_wait3A_241] : memref<10000x64xf32, #tpu.memory_space<hbm>> -> memref<10000x64xf32, #tpu.memory_space<hbm>>
        tpu.wait_indirect_dma semaphore(%arg13 : memref<!tpu.dma_semaphore, #tpu.memory_space<semaphore_mem>>) src(%dma_wait3A_242 : memref<10000x64xf32, #tpu.memory_space<hbm>>) dst(%dma_wait3A_236 : memref<125x64xf32, #tpu.memory_space<vmem>>)
        %add3A_243 = arith.constant 2 : i32
        %add3A_244 = arith.addi %mul3A_89, %add3A_243 : i32
        %dma_start3A_245 = arith.constant 2 : i32
        %dma_start3A_246 = arith.constant 0 : i32
        %dma_start3A_247 = arith.constant 0 : i32
        %dma_start3A_248 = tpu.memref_slice %arg10[%dma_start3A_245, %dma_start3A_246, %dma_start3A_247] : memref<5x125x64xf32, #tpu.memory_space<vmem>> -> memref<1x125x64xf32, #tpu.memory_space<vmem>>
        %dma_start3A_249 = tpu.memref_squeeze %dma_start3A_248 : memref<1x125x64xf32, #tpu.memory_space<vmem>> -> memref<125x64xf32, #tpu.memory_space<vmem>>
        %dma_start3A_250 = arith.constant 0 : i32
        %dma_start3A_251 = tpu.memref_slice %arg9[%add3A_244, %dma_start3A_250] : memref<160x125xi32, #tpu.memory_space<vmem>> -> memref<1x125xi32, #tpu.memory_space<vmem>>
        %dma_start3A_252 = tpu.memref_squeeze %dma_start3A_251 : memref<1x125xi32, #tpu.memory_space<vmem>> -> memref<125xi32, #tpu.memory_space<vmem>>
        %dma_start3A_253 = arith.constant 0 : i32
        %dma_start3A_254 = arith.constant 0 : i32
        %dma_start3A_255 = tpu.memref_slice %arg12[%dma_start3A_253, %dma_start3A_254] : memref<10240x64xf32, #tpu.memory_space<vmem_shared>> -> memref<10240x64xf32, #tpu.memory_space<vmem_shared>>
        tpu.enqueue_indirect_dma source(%dma_start3A_249 : memref<125x64xf32, #tpu.memory_space<vmem>>) target(%dma_start3A_255 : memref<10240x64xf32, #tpu.memory_space<vmem_shared>>) offsets(%dma_start3A_252 : memref<125xi32, #tpu.memory_space<vmem>>) semaphore(%arg14 : memref<!tpu.dma_semaphore, #tpu.memory_space<semaphore_mem>>) {add = true}
        %add3A_256 = arith.constant 3 : i32
        %add3A_257 = arith.addi %mul3A_89, %add3A_256 : i32
        %dma_wait3A_258 = arith.constant 3 : i32
        %dma_wait3A_259 = arith.constant 0 : i32
        %dma_wait3A_260 = arith.constant 0 : i32
        %dma_wait3A_261 = tpu.memref_slice %arg10[%dma_wait3A_258, %dma_wait3A_259, %dma_wait3A_260] : memref<5x125x64xf32, #tpu.memory_space<vmem>> -> memref<1x125x64xf32, #tpu.memory_space<vmem>>
        %dma_wait3A_262 = tpu.memref_squeeze %dma_wait3A_261 : memref<1x125x64xf32, #tpu.memory_space<vmem>> -> memref<125x64xf32, #tpu.memory_space<vmem>>
        %dma_wait3A_263 = arith.constant 0 : i32
        %dma_wait3A_264 = tpu.memref_slice %arg8[%add3A_257, %dma_wait3A_263] : memref<160x125xi32, #tpu.memory_space<vmem>> -> memref<1x125xi32, #tpu.memory_space<vmem>>
        %dma_wait3A_265 = tpu.memref_squeeze %dma_wait3A_264 : memref<1x125xi32, #tpu.memory_space<vmem>> -> memref<125xi32, #tpu.memory_space<vmem>>
        %dma_wait3A_266 = arith.constant 0 : i32
        %dma_wait3A_267 = arith.constant 0 : i32
        %dma_wait3A_268 = tpu.memref_slice %arg2[%dma_wait3A_266, %dma_wait3A_267] : memref<10000x64xf32, #tpu.memory_space<hbm>> -> memref<10000x64xf32, #tpu.memory_space<hbm>>
        tpu.wait_indirect_dma semaphore(%arg13 : memref<!tpu.dma_semaphore, #tpu.memory_space<semaphore_mem>>) src(%dma_wait3A_268 : memref<10000x64xf32, #tpu.memory_space<hbm>>) dst(%dma_wait3A_262 : memref<125x64xf32, #tpu.memory_space<vmem>>)
        %add3A_269 = arith.constant 3 : i32
        %add3A_270 = arith.addi %mul3A_89, %add3A_269 : i32
        %dma_start3A_271 = arith.constant 3 : i32
        %dma_start3A_272 = arith.constant 0 : i32
        %dma_start3A_273 = arith.constant 0 : i32
        %dma_start3A_274 = tpu.memref_slice %arg10[%dma_start3A_271, %dma_start3A_272, %dma_start3A_273] : memref<5x125x64xf32, #tpu.memory_space<vmem>> -> memref<1x125x64xf32, #tpu.memory_space<vmem>>
        %dma_start3A_275 = tpu.memref_squeeze %dma_start3A_274 : memref<1x125x64xf32, #tpu.memory_space<vmem>> -> memref<125x64xf32, #tpu.memory_space<vmem>>
        %dma_start3A_276 = arith.constant 0 : i32
        %dma_start3A_277 = tpu.memref_slice %arg9[%add3A_270, %dma_start3A_276] : memref<160x125xi32, #tpu.memory_space<vmem>> -> memref<1x125xi32, #tpu.memory_space<vmem>>
        %dma_start3A_278 = tpu.memref_squeeze %dma_start3A_277 : memref<1x125xi32, #tpu.memory_space<vmem>> -> memref<125xi32, #tpu.memory_space<vmem>>
        %dma_start3A_279 = arith.constant 0 : i32
        %dma_start3A_280 = arith.constant 0 : i32
        %dma_start3A_281 = tpu.memref_slice %arg12[%dma_start3A_279, %dma_start3A_280] : memref<10240x64xf32, #tpu.memory_space<vmem_shared>> -> memref<10240x64xf32, #tpu.memory_space<vmem_shared>>
        tpu.enqueue_indirect_dma source(%dma_start3A_275 : memref<125x64xf32, #tpu.memory_space<vmem>>) target(%dma_start3A_281 : memref<10240x64xf32, #tpu.memory_space<vmem_shared>>) offsets(%dma_start3A_278 : memref<125xi32, #tpu.memory_space<vmem>>) semaphore(%arg14 : memref<!tpu.dma_semaphore, #tpu.memory_space<semaphore_mem>>) {add = true}
        %add3A_282 = arith.constant 4 : i32
        %add3A_283 = arith.addi %mul3A_89, %add3A_282 : i32
        %dma_wait3A_284 = arith.constant 4 : i32
        %dma_wait3A_285 = arith.constant 0 : i32
        %dma_wait3A_286 = arith.constant 0 : i32
        %dma_wait3A_287 = tpu.memref_slice %arg10[%dma_wait3A_284, %dma_wait3A_285, %dma_wait3A_286] : memref<5x125x64xf32, #tpu.memory_space<vmem>> -> memref<1x125x64xf32, #tpu.memory_space<vmem>>
        %dma_wait3A_288 = tpu.memref_squeeze %dma_wait3A_287 : memref<1x125x64xf32, #tpu.memory_space<vmem>> -> memref<125x64xf32, #tpu.memory_space<vmem>>
        %dma_wait3A_289 = arith.constant 0 : i32
        %dma_wait3A_290 = tpu.memref_slice %arg8[%add3A_283, %dma_wait3A_289] : memref<160x125xi32, #tpu.memory_space<vmem>> -> memref<1x125xi32, #tpu.memory_space<vmem>>
        %dma_wait3A_291 = tpu.memref_squeeze %dma_wait3A_290 : memref<1x125xi32, #tpu.memory_space<vmem>> -> memref<125xi32, #tpu.memory_space<vmem>>
        %dma_wait3A_292 = arith.constant 0 : i32
        %dma_wait3A_293 = arith.constant 0 : i32
        %dma_wait3A_294 = tpu.memref_slice %arg2[%dma_wait3A_292, %dma_wait3A_293] : memref<10000x64xf32, #tpu.memory_space<hbm>> -> memref<10000x64xf32, #tpu.memory_space<hbm>>
        tpu.wait_indirect_dma semaphore(%arg13 : memref<!tpu.dma_semaphore, #tpu.memory_space<semaphore_mem>>) src(%dma_wait3A_294 : memref<10000x64xf32, #tpu.memory_space<hbm>>) dst(%dma_wait3A_288 : memref<125x64xf32, #tpu.memory_space<vmem>>)
        %add3A_295 = arith.constant 4 : i32
        %add3A_296 = arith.addi %mul3A_89, %add3A_295 : i32
        %dma_start3A_297 = arith.constant 4 : i32
        %dma_start3A_298 = arith.constant 0 : i32
        %dma_start3A_299 = arith.constant 0 : i32
        %dma_start3A_300 = tpu.memref_slice %arg10[%dma_start3A_297, %dma_start3A_298, %dma_start3A_299] : memref<5x125x64xf32, #tpu.memory_space<vmem>> -> memref<1x125x64xf32, #tpu.memory_space<vmem>>
        %dma_start3A_301 = tpu.memref_squeeze %dma_start3A_300 : memref<1x125x64xf32, #tpu.memory_space<vmem>> -> memref<125x64xf32, #tpu.memory_space<vmem>>
        %dma_start3A_302 = arith.constant 0 : i32
        %dma_start3A_303 = tpu.memref_slice %arg9[%add3A_296, %dma_start3A_302] : memref<160x125xi32, #tpu.memory_space<vmem>> -> memref<1x125xi32, #tpu.memory_space<vmem>>
        %dma_start3A_304 = tpu.memref_squeeze %dma_start3A_303 : memref<1x125xi32, #tpu.memory_space<vmem>> -> memref<125xi32, #tpu.memory_space<vmem>>
        %dma_start3A_305 = arith.constant 0 : i32
        %dma_start3A_306 = arith.constant 0 : i32
        %dma_start3A_307 = tpu.memref_slice %arg12[%dma_start3A_305, %dma_start3A_306] : memref<10240x64xf32, #tpu.memory_space<vmem_shared>> -> memref<10240x64xf32, #tpu.memory_space<vmem_shared>>
        tpu.enqueue_indirect_dma source(%dma_start3A_301 : memref<125x64xf32, #tpu.memory_space<vmem>>) target(%dma_start3A_307 : memref<10240x64xf32, #tpu.memory_space<vmem_shared>>) offsets(%dma_start3A_304 : memref<125xi32, #tpu.memory_space<vmem>>) semaphore(%arg14 : memref<!tpu.dma_semaphore, #tpu.memory_space<semaphore_mem>>) {add = true}
      }
      %scan3A_20 = arith.constant 32 : i32
      %dma_wait3A = arith.constant 0 : i32
      %dma_wait3A_21 = arith.constant 0 : i32
      %dma_wait3A_22 = arith.constant 0 : i32
      %dma_wait3A_23 = arith.constant 0 : i32
      %dma_wait3A_24 = tpu.memref_slice %arg10[%dma_wait3A, %dma_wait3A_22, %dma_wait3A_23] : memref<5x125x64xf32, #tpu.memory_space<vmem>> -> memref<1x125x64xf32, #tpu.memory_space<vmem>>
      %dma_wait3A_25 = tpu.memref_squeeze %dma_wait3A_24 : memref<1x125x64xf32, #tpu.memory_space<vmem>> -> memref<125x64xf32, #tpu.memory_space<vmem>>
      %dma_wait3A_26 = arith.constant 0 : i32
      %dma_wait3A_27 = tpu.memref_slice %arg9[%dma_wait3A_21, %dma_wait3A_26] : memref<160x125xi32, #tpu.memory_space<vmem>> -> memref<1x125xi32, #tpu.memory_space<vmem>>
      %dma_wait3A_28 = tpu.memref_squeeze %dma_wait3A_27 : memref<1x125xi32, #tpu.memory_space<vmem>> -> memref<125xi32, #tpu.memory_space<vmem>>
      %dma_wait3A_29 = arith.constant 0 : i32
      %dma_wait3A_30 = arith.constant 0 : i32
      %dma_wait3A_31 = tpu.memref_slice %arg12[%dma_wait3A_29, %dma_wait3A_30] : memref<10240x64xf32, #tpu.memory_space<vmem_shared>> -> memref<10240x64xf32, #tpu.memory_space<vmem_shared>>
      tpu.wait_indirect_dma semaphore(%arg14 : memref<!tpu.dma_semaphore, #tpu.memory_space<semaphore_mem>>) src(%dma_wait3A_25 : memref<125x64xf32, #tpu.memory_space<vmem>>) dst(%dma_wait3A_31 : memref<10240x64xf32, #tpu.memory_space<vmem_shared>>)
      %dma_wait3A_32 = arith.constant 1 : i32
      %dma_wait3A_33 = arith.constant 1 : i32
      %dma_wait3A_34 = arith.constant 0 : i32
      %dma_wait3A_35 = arith.constant 0 : i32
      %dma_wait3A_36 = tpu.memref_slice %arg10[%dma_wait3A_32, %dma_wait3A_34, %dma_wait3A_35] : memref<5x125x64xf32, #tpu.memory_space<vmem>> -> memref<1x125x64xf32, #tpu.memory_space<vmem>>
      %dma_wait3A_37 = tpu.memref_squeeze %dma_wait3A_36 : memref<1x125x64xf32, #tpu.memory_space<vmem>> -> memref<125x64xf32, #tpu.memory_space<vmem>>
      %dma_wait3A_38 = arith.constant 0 : i32
      %dma_wait3A_39 = tpu.memref_slice %arg9[%dma_wait3A_33, %dma_wait3A_38] : memref<160x125xi32, #tpu.memory_space<vmem>> -> memref<1x125xi32, #tpu.memory_space<vmem>>
      %dma_wait3A_40 = tpu.memref_squeeze %dma_wait3A_39 : memref<1x125xi32, #tpu.memory_space<vmem>> -> memref<125xi32, #tpu.memory_space<vmem>>
      %dma_wait3A_41 = arith.constant 0 : i32
      %dma_wait3A_42 = arith.constant 0 : i32
      %dma_wait3A_43 = tpu.memref_slice %arg12[%dma_wait3A_41, %dma_wait3A_42] : memref<10240x64xf32, #tpu.memory_space<vmem_shared>> -> memref<10240x64xf32, #tpu.memory_space<vmem_shared>>
      tpu.wait_indirect_dma semaphore(%arg14 : memref<!tpu.dma_semaphore, #tpu.memory_space<semaphore_mem>>) src(%dma_wait3A_37 : memref<125x64xf32, #tpu.memory_space<vmem>>) dst(%dma_wait3A_43 : memref<10240x64xf32, #tpu.memory_space<vmem_shared>>)
      %dma_wait3A_44 = arith.constant 2 : i32
      %dma_wait3A_45 = arith.constant 2 : i32
      %dma_wait3A_46 = arith.constant 0 : i32
      %dma_wait3A_47 = arith.constant 0 : i32
      %dma_wait3A_48 = tpu.memref_slice %arg10[%dma_wait3A_44, %dma_wait3A_46, %dma_wait3A_47] : memref<5x125x64xf32, #tpu.memory_space<vmem>> -> memref<1x125x64xf32, #tpu.memory_space<vmem>>
      %dma_wait3A_49 = tpu.memref_squeeze %dma_wait3A_48 : memref<1x125x64xf32, #tpu.memory_space<vmem>> -> memref<125x64xf32, #tpu.memory_space<vmem>>
      %dma_wait3A_50 = arith.constant 0 : i32
      %dma_wait3A_51 = tpu.memref_slice %arg9[%dma_wait3A_45, %dma_wait3A_50] : memref<160x125xi32, #tpu.memory_space<vmem>> -> memref<1x125xi32, #tpu.memory_space<vmem>>
      %dma_wait3A_52 = tpu.memref_squeeze %dma_wait3A_51 : memref<1x125xi32, #tpu.memory_space<vmem>> -> memref<125xi32, #tpu.memory_space<vmem>>
      %dma_wait3A_53 = arith.constant 0 : i32
      %dma_wait3A_54 = arith.constant 0 : i32
      %dma_wait3A_55 = tpu.memref_slice %arg12[%dma_wait3A_53, %dma_wait3A_54] : memref<10240x64xf32, #tpu.memory_space<vmem_shared>> -> memref<10240x64xf32, #tpu.memory_space<vmem_shared>>
      tpu.wait_indirect_dma semaphore(%arg14 : memref<!tpu.dma_semaphore, #tpu.memory_space<semaphore_mem>>) src(%dma_wait3A_49 : memref<125x64xf32, #tpu.memory_space<vmem>>) dst(%dma_wait3A_55 : memref<10240x64xf32, #tpu.memory_space<vmem_shared>>)
      %dma_wait3A_56 = arith.constant 3 : i32
      %dma_wait3A_57 = arith.constant 3 : i32
      %dma_wait3A_58 = arith.constant 0 : i32
      %dma_wait3A_59 = arith.constant 0 : i32
      %dma_wait3A_60 = tpu.memref_slice %arg10[%dma_wait3A_56, %dma_wait3A_58, %dma_wait3A_59] : memref<5x125x64xf32, #tpu.memory_space<vmem>> -> memref<1x125x64xf32, #tpu.memory_space<vmem>>
      %dma_wait3A_61 = tpu.memref_squeeze %dma_wait3A_60 : memref<1x125x64xf32, #tpu.memory_space<vmem>> -> memref<125x64xf32, #tpu.memory_space<vmem>>
      %dma_wait3A_62 = arith.constant 0 : i32
      %dma_wait3A_63 = tpu.memref_slice %arg9[%dma_wait3A_57, %dma_wait3A_62] : memref<160x125xi32, #tpu.memory_space<vmem>> -> memref<1x125xi32, #tpu.memory_space<vmem>>
      %dma_wait3A_64 = tpu.memref_squeeze %dma_wait3A_63 : memref<1x125xi32, #tpu.memory_space<vmem>> -> memref<125xi32, #tpu.memory_space<vmem>>
      %dma_wait3A_65 = arith.constant 0 : i32
      %dma_wait3A_66 = arith.constant 0 : i32
      %dma_wait3A_67 = tpu.memref_slice %arg12[%dma_wait3A_65, %dma_wait3A_66] : memref<10240x64xf32, #tpu.memory_space<vmem_shared>> -> memref<10240x64xf32, #tpu.memory_space<vmem_shared>>
      tpu.wait_indirect_dma semaphore(%arg14 : memref<!tpu.dma_semaphore, #tpu.memory_space<semaphore_mem>>) src(%dma_wait3A_61 : memref<125x64xf32, #tpu.memory_space<vmem>>) dst(%dma_wait3A_67 : memref<10240x64xf32, #tpu.memory_space<vmem_shared>>)
      %dma_wait3A_68 = arith.constant 4 : i32
      %dma_wait3A_69 = arith.constant 4 : i32
      %dma_wait3A_70 = arith.constant 0 : i32
      %dma_wait3A_71 = arith.constant 0 : i32
      %dma_wait3A_72 = tpu.memref_slice %arg10[%dma_wait3A_68, %dma_wait3A_70, %dma_wait3A_71] : memref<5x125x64xf32, #tpu.memory_space<vmem>> -> memref<1x125x64xf32, #tpu.memory_space<vmem>>
      %dma_wait3A_73 = tpu.memref_squeeze %dma_wait3A_72 : memref<1x125x64xf32, #tpu.memory_space<vmem>> -> memref<125x64xf32, #tpu.memory_space<vmem>>
      %dma_wait3A_74 = arith.constant 0 : i32
      %dma_wait3A_75 = tpu.memref_slice %arg9[%dma_wait3A_69, %dma_wait3A_74] : memref<160x125xi32, #tpu.memory_space<vmem>> -> memref<1x125xi32, #tpu.memory_space<vmem>>
      %dma_wait3A_76 = tpu.memref_squeeze %dma_wait3A_75 : memref<1x125xi32, #tpu.memory_space<vmem>> -> memref<125xi32, #tpu.memory_space<vmem>>
      %dma_wait3A_77 = arith.constant 0 : i32
      %dma_wait3A_78 = arith.constant 0 : i32
      %dma_wait3A_79 = tpu.memref_slice %arg12[%dma_wait3A_77, %dma_wait3A_78] : memref<10240x64xf32, #tpu.memory_space<vmem_shared>> -> memref<10240x64xf32, #tpu.memory_space<vmem_shared>>
      tpu.wait_indirect_dma semaphore(%arg14 : memref<!tpu.dma_semaphore, #tpu.memory_space<semaphore_mem>>) src(%dma_wait3A_73 : memref<125x64xf32, #tpu.memory_space<vmem>>) dst(%dma_wait3A_79 : memref<10240x64xf32, #tpu.memory_space<vmem_shared>>)
      %barrier3A_80 = arith.constant 0 : index
      tpu.barrier barrier_id(%barrier3A_80)
      %mul3A = arith.constant 640 : i32
      %mul3A_81 = arith.muli %arg1, %mul3A : i32
      %mul3A_82 = arith.constant 640 : i32
      %mul3A_83 = arith.muli %arg1, %mul3A_82 : i32
      "tpu.region"() ({
        %run_scoped3A = tpu.sem_alloc : memref<!tpu.dma_semaphore, #tpu.memory_space<semaphore_mem>>
        %dma_start3A = arith.constant 0 : i32
        %dma_start3A_84 = tpu.memref_slice %arg6[%mul3A_83, %dma_start3A] : memref<10240x64xf32, #tpu.memory_space<hbm>> -> memref<640x64xf32, #tpu.memory_space<hbm>>
        %dma_start3A_85 = arith.constant 0 : i32
        %dma_start3A_86 = tpu.memref_slice %arg12[%mul3A_81, %dma_start3A_85] : memref<10240x64xf32, #tpu.memory_space<vmem_shared>> -> memref<640x64xf32, #tpu.memory_space<vmem_shared>>
        tpu.enqueue_dma source(%dma_start3A_86 : memref<640x64xf32, #tpu.memory_space<vmem_shared>>) target(%dma_start3A_84 : memref<640x64xf32, #tpu.memory_space<hbm>>) target_semaphore(%run_scoped3A : memref<!tpu.dma_semaphore, #tpu.memory_space<semaphore_mem>>)
        %dma_wait3A_87 = arith.constant 0 : i32
        %dma_wait3A_88 = tpu.memref_slice %arg6[%mul3A_83, %dma_wait3A_87] : memref<10240x64xf32, #tpu.memory_space<hbm>> -> memref<640x64xf32, #tpu.memory_space<hbm>>
        %dma_wait3A_89 = arith.constant 0 : i32
        %dma_wait3A_90 = tpu.memref_slice %arg12[%mul3A_81, %dma_wait3A_89] : memref<10240x64xf32, #tpu.memory_space<vmem_shared>> -> memref<640x64xf32, #tpu.memory_space<vmem_shared>>
        tpu.wait_dma2 semaphore(%run_scoped3A : memref<!tpu.dma_semaphore, #tpu.memory_space<semaphore_mem>>) src(%dma_wait3A_90 : memref<640x64xf32, #tpu.memory_space<vmem_shared>>) dst(%dma_wait3A_88 : memref<640x64xf32, #tpu.memory_space<hbm>>)
        tpu.yield
      }) : () -> ()
    } else {
    }
    %eq3A_11 = arith.constant 1 : i32
    %eq3A_12 = arith.cmpi eq, %arg0, %eq3A_11 : i32
    %convert_element_type3A_13 = arith.extui %eq3A_12 : i1 to i32
    %cond3A_14 = arith.constant 0 : i32
    %cond3A_15 = arith.cmpi ne, %convert_element_type3A_13, %cond3A_14 : i32
    scf.if %cond3A_15 {
      %scan3A_16 = arith.constant 0 : i32
      %scan3A_17 = arith.constant 32 : i32
      %scan3A_18 = arith.addi %scan3A_16, %scan3A_17 : i32
      %scan3A_19 = arith.constant 1 : i32
      scf.for %scan3A_84 = %scan3A_16 to %scan3A_18 step %scan3A_19  : i32 {
        %mul3A_85 = arith.constant 1 : i32
        %mul3A_86 = arith.muli %scan3A_84, %mul3A_85 : i32
        %add3A = arith.constant 0 : i32
        %add3A_87 = arith.addi %add3A, %mul3A_86 : i32
        %mul3A_88 = arith.constant 5 : i32
        %mul3A_89 = arith.muli %add3A_87, %mul3A_88 : i32
        %gt3A = arith.constant 0 : i32
        %gt3A_90 = arith.cmpi sgt, %add3A_87, %gt3A : i32
        %convert_element_type3A_91 = arith.extui %gt3A_90 : i1 to i32
        %cond3A_92 = arith.constant 0 : i32
        %cond3A_93 = arith.cmpi ne, %convert_element_type3A_91, %cond3A_92 : i32
        scf.if %cond3A_93 {
          %add3A_308 = arith.constant 0 : i32
          %add3A_309 = arith.addi %mul3A_89, %add3A_308 : i32
          %dma_wait3A_310 = arith.constant 0 : i32
          %dma_wait3A_311 = arith.constant 0 : i32
          %dma_wait3A_312 = arith.constant 0 : i32
          %dma_wait3A_313 = tpu.memref_slice %arg10[%dma_wait3A_310, %dma_wait3A_311, %dma_wait3A_312] : memref<5x125x64xf32, #tpu.memory_space<vmem>> -> memref<1x125x64xf32, #tpu.memory_space<vmem>>
          %dma_wait3A_314 = tpu.memref_squeeze %dma_wait3A_313 : memref<1x125x64xf32, #tpu.memory_space<vmem>> -> memref<125x64xf32, #tpu.memory_space<vmem>>
          %dma_wait3A_315 = arith.constant 0 : i32
          %dma_wait3A_316 = tpu.memref_slice %arg9[%add3A_309, %dma_wait3A_315] : memref<160x125xi32, #tpu.memory_space<vmem>> -> memref<1x125xi32, #tpu.memory_space<vmem>>
          %dma_wait3A_317 = tpu.memref_squeeze %dma_wait3A_316 : memref<1x125xi32, #tpu.memory_space<vmem>> -> memref<125xi32, #tpu.memory_space<vmem>>
          %dma_wait3A_318 = arith.constant 0 : i32
          %dma_wait3A_319 = arith.constant 0 : i32
          %dma_wait3A_320 = tpu.memref_slice %arg12[%dma_wait3A_318, %dma_wait3A_319] : memref<10240x64xf32, #tpu.memory_space<vmem_shared>> -> memref<10240x64xf32, #tpu.memory_space<vmem_shared>>
          tpu.wait_indirect_dma semaphore(%arg14 : memref<!tpu.dma_semaphore, #tpu.memory_space<semaphore_mem>>) src(%dma_wait3A_314 : memref<125x64xf32, #tpu.memory_space<vmem>>) dst(%dma_wait3A_320 : memref<10240x64xf32, #tpu.memory_space<vmem_shared>>)
        } else {
        }
        %add3A_94 = arith.constant 0 : i32
        %add3A_95 = arith.addi %mul3A_89, %add3A_94 : i32
        %dma_start3A = arith.constant 0 : i32
        %dma_start3A_96 = arith.constant 0 : i32
        %dma_start3A_97 = arith.constant 0 : i32
        %dma_start3A_98 = tpu.memref_slice %arg10[%dma_start3A, %dma_start3A_96, %dma_start3A_97] : memref<5x125x64xf32, #tpu.memory_space<vmem>> -> memref<1x125x64xf32, #tpu.memory_space<vmem>>
        %dma_start3A_99 = tpu.memref_squeeze %dma_start3A_98 : memref<1x125x64xf32, #tpu.memory_space<vmem>> -> memref<125x64xf32, #tpu.memory_space<vmem>>
        %dma_start3A_100 = arith.constant 0 : i32
        %dma_start3A_101 = tpu.memref_slice %arg8[%add3A_95, %dma_start3A_100] : memref<160x125xi32, #tpu.memory_space<vmem>> -> memref<1x125xi32, #tpu.memory_space<vmem>>
        %dma_start3A_102 = tpu.memref_squeeze %dma_start3A_101 : memref<1x125xi32, #tpu.memory_space<vmem>> -> memref<125xi32, #tpu.memory_space<vmem>>
        %dma_start3A_103 = arith.constant 0 : i32
        %dma_start3A_104 = arith.constant 0 : i32
        %dma_start3A_105 = tpu.memref_slice %arg3[%dma_start3A_103, %dma_start3A_104] : memref<10000x64xf32, #tpu.memory_space<hbm>> -> memref<10000x64xf32, #tpu.memory_space<hbm>>
        tpu.enqueue_indirect_dma source(%dma_start3A_105 : memref<10000x64xf32, #tpu.memory_space<hbm>>) target(%dma_start3A_99 : memref<125x64xf32, #tpu.memory_space<vmem>>) offsets(%dma_start3A_102 : memref<125xi32, #tpu.memory_space<vmem>>) semaphore(%arg13 : memref<!tpu.dma_semaphore, #tpu.memory_space<semaphore_mem>>)
        %gt3A_106 = arith.constant 0 : i32
        %gt3A_107 = arith.cmpi sgt, %add3A_87, %gt3A_106 : i32
        %convert_element_type3A_108 = arith.extui %gt3A_107 : i1 to i32
        %cond3A_109 = arith.constant 0 : i32
        %cond3A_110 = arith.cmpi ne, %convert_element_type3A_108, %cond3A_109 : i32
        scf.if %cond3A_110 {
          %add3A_308 = arith.constant 1 : i32
          %add3A_309 = arith.addi %mul3A_89, %add3A_308 : i32
          %dma_wait3A_310 = arith.constant 1 : i32
          %dma_wait3A_311 = arith.constant 0 : i32
          %dma_wait3A_312 = arith.constant 0 : i32
          %dma_wait3A_313 = tpu.memref_slice %arg10[%dma_wait3A_310, %dma_wait3A_311, %dma_wait3A_312] : memref<5x125x64xf32, #tpu.memory_space<vmem>> -> memref<1x125x64xf32, #tpu.memory_space<vmem>>
          %dma_wait3A_314 = tpu.memref_squeeze %dma_wait3A_313 : memref<1x125x64xf32, #tpu.memory_space<vmem>> -> memref<125x64xf32, #tpu.memory_space<vmem>>
          %dma_wait3A_315 = arith.constant 0 : i32
          %dma_wait3A_316 = tpu.memref_slice %arg9[%add3A_309, %dma_wait3A_315] : memref<160x125xi32, #tpu.memory_space<vmem>> -> memref<1x125xi32, #tpu.memory_space<vmem>>
          %dma_wait3A_317 = tpu.memref_squeeze %dma_wait3A_316 : memref<1x125xi32, #tpu.memory_space<vmem>> -> memref<125xi32, #tpu.memory_space<vmem>>
          %dma_wait3A_318 = arith.constant 0 : i32
          %dma_wait3A_319 = arith.constant 0 : i32
          %dma_wait3A_320 = tpu.memref_slice %arg12[%dma_wait3A_318, %dma_wait3A_319] : memref<10240x64xf32, #tpu.memory_space<vmem_shared>> -> memref<10240x64xf32, #tpu.memory_space<vmem_shared>>
          tpu.wait_indirect_dma semaphore(%arg14 : memref<!tpu.dma_semaphore, #tpu.memory_space<semaphore_mem>>) src(%dma_wait3A_314 : memref<125x64xf32, #tpu.memory_space<vmem>>) dst(%dma_wait3A_320 : memref<10240x64xf32, #tpu.memory_space<vmem_shared>>)
        } else {
        }
        %add3A_111 = arith.constant 1 : i32
        %add3A_112 = arith.addi %mul3A_89, %add3A_111 : i32
        %dma_start3A_113 = arith.constant 1 : i32
        %dma_start3A_114 = arith.constant 0 : i32
        %dma_start3A_115 = arith.constant 0 : i32
        %dma_start3A_116 = tpu.memref_slice %arg10[%dma_start3A_113, %dma_start3A_114, %dma_start3A_115] : memref<5x125x64xf32, #tpu.memory_space<vmem>> -> memref<1x125x64xf32, #tpu.memory_space<vmem>>
        %dma_start3A_117 = tpu.memref_squeeze %dma_start3A_116 : memref<1x125x64xf32, #tpu.memory_space<vmem>> -> memref<125x64xf32, #tpu.memory_space<vmem>>
        %dma_start3A_118 = arith.constant 0 : i32
        %dma_start3A_119 = tpu.memref_slice %arg8[%add3A_112, %dma_start3A_118] : memref<160x125xi32, #tpu.memory_space<vmem>> -> memref<1x125xi32, #tpu.memory_space<vmem>>
        %dma_start3A_120 = tpu.memref_squeeze %dma_start3A_119 : memref<1x125xi32, #tpu.memory_space<vmem>> -> memref<125xi32, #tpu.memory_space<vmem>>
        %dma_start3A_121 = arith.constant 0 : i32
        %dma_start3A_122 = arith.constant 0 : i32
        %dma_start3A_123 = tpu.memref_slice %arg3[%dma_start3A_121, %dma_start3A_122] : memref<10000x64xf32, #tpu.memory_space<hbm>> -> memref<10000x64xf32, #tpu.memory_space<hbm>>
        tpu.enqueue_indirect_dma source(%dma_start3A_123 : memref<10000x64xf32, #tpu.memory_space<hbm>>) target(%dma_start3A_117 : memref<125x64xf32, #tpu.memory_space<vmem>>) offsets(%dma_start3A_120 : memref<125xi32, #tpu.memory_space<vmem>>) semaphore(%arg13 : memref<!tpu.dma_semaphore, #tpu.memory_space<semaphore_mem>>)
        %gt3A_124 = arith.constant 0 : i32
        %gt3A_125 = arith.cmpi sgt, %add3A_87, %gt3A_124 : i32
        %convert_element_type3A_126 = arith.extui %gt3A_125 : i1 to i32
        %cond3A_127 = arith.constant 0 : i32
        %cond3A_128 = arith.cmpi ne, %convert_element_type3A_126, %cond3A_127 : i32
        scf.if %cond3A_128 {
          %add3A_308 = arith.constant 2 : i32
          %add3A_309 = arith.addi %mul3A_89, %add3A_308 : i32
          %dma_wait3A_310 = arith.constant 2 : i32
          %dma_wait3A_311 = arith.constant 0 : i32
          %dma_wait3A_312 = arith.constant 0 : i32
          %dma_wait3A_313 = tpu.memref_slice %arg10[%dma_wait3A_310, %dma_wait3A_311, %dma_wait3A_312] : memref<5x125x64xf32, #tpu.memory_space<vmem>> -> memref<1x125x64xf32, #tpu.memory_space<vmem>>
          %dma_wait3A_314 = tpu.memref_squeeze %dma_wait3A_313 : memref<1x125x64xf32, #tpu.memory_space<vmem>> -> memref<125x64xf32, #tpu.memory_space<vmem>>
          %dma_wait3A_315 = arith.constant 0 : i32
          %dma_wait3A_316 = tpu.memref_slice %arg9[%add3A_309, %dma_wait3A_315] : memref<160x125xi32, #tpu.memory_space<vmem>> -> memref<1x125xi32, #tpu.memory_space<vmem>>
          %dma_wait3A_317 = tpu.memref_squeeze %dma_wait3A_316 : memref<1x125xi32, #tpu.memory_space<vmem>> -> memref<125xi32, #tpu.memory_space<vmem>>
          %dma_wait3A_318 = arith.constant 0 : i32
          %dma_wait3A_319 = arith.constant 0 : i32
          %dma_wait3A_320 = tpu.memref_slice %arg12[%dma_wait3A_318, %dma_wait3A_319] : memref<10240x64xf32, #tpu.memory_space<vmem_shared>> -> memref<10240x64xf32, #tpu.memory_space<vmem_shared>>
          tpu.wait_indirect_dma semaphore(%arg14 : memref<!tpu.dma_semaphore, #tpu.memory_space<semaphore_mem>>) src(%dma_wait3A_314 : memref<125x64xf32, #tpu.memory_space<vmem>>) dst(%dma_wait3A_320 : memref<10240x64xf32, #tpu.memory_space<vmem_shared>>)
        } else {
        }
        %add3A_129 = arith.constant 2 : i32
        %add3A_130 = arith.addi %mul3A_89, %add3A_129 : i32
        %dma_start3A_131 = arith.constant 2 : i32
        %dma_start3A_132 = arith.constant 0 : i32
        %dma_start3A_133 = arith.constant 0 : i32
        %dma_start3A_134 = tpu.memref_slice %arg10[%dma_start3A_131, %dma_start3A_132, %dma_start3A_133] : memref<5x125x64xf32, #tpu.memory_space<vmem>> -> memref<1x125x64xf32, #tpu.memory_space<vmem>>
        %dma_start3A_135 = tpu.memref_squeeze %dma_start3A_134 : memref<1x125x64xf32, #tpu.memory_space<vmem>> -> memref<125x64xf32, #tpu.memory_space<vmem>>
        %dma_start3A_136 = arith.constant 0 : i32
        %dma_start3A_137 = tpu.memref_slice %arg8[%add3A_130, %dma_start3A_136] : memref<160x125xi32, #tpu.memory_space<vmem>> -> memref<1x125xi32, #tpu.memory_space<vmem>>
        %dma_start3A_138 = tpu.memref_squeeze %dma_start3A_137 : memref<1x125xi32, #tpu.memory_space<vmem>> -> memref<125xi32, #tpu.memory_space<vmem>>
        %dma_start3A_139 = arith.constant 0 : i32
        %dma_start3A_140 = arith.constant 0 : i32
        %dma_start3A_141 = tpu.memref_slice %arg3[%dma_start3A_139, %dma_start3A_140] : memref<10000x64xf32, #tpu.memory_space<hbm>> -> memref<10000x64xf32, #tpu.memory_space<hbm>>
        tpu.enqueue_indirect_dma source(%dma_start3A_141 : memref<10000x64xf32, #tpu.memory_space<hbm>>) target(%dma_start3A_135 : memref<125x64xf32, #tpu.memory_space<vmem>>) offsets(%dma_start3A_138 : memref<125xi32, #tpu.memory_space<vmem>>) semaphore(%arg13 : memref<!tpu.dma_semaphore, #tpu.memory_space<semaphore_mem>>)
        %gt3A_142 = arith.constant 0 : i32
        %gt3A_143 = arith.cmpi sgt, %add3A_87, %gt3A_142 : i32
        %convert_element_type3A_144 = arith.extui %gt3A_143 : i1 to i32
        %cond3A_145 = arith.constant 0 : i32
        %cond3A_146 = arith.cmpi ne, %convert_element_type3A_144, %cond3A_145 : i32
        scf.if %cond3A_146 {
          %add3A_308 = arith.constant 3 : i32
          %add3A_309 = arith.addi %mul3A_89, %add3A_308 : i32
          %dma_wait3A_310 = arith.constant 3 : i32
          %dma_wait3A_311 = arith.constant 0 : i32
          %dma_wait3A_312 = arith.constant 0 : i32
          %dma_wait3A_313 = tpu.memref_slice %arg10[%dma_wait3A_310, %dma_wait3A_311, %dma_wait3A_312] : memref<5x125x64xf32, #tpu.memory_space<vmem>> -> memref<1x125x64xf32, #tpu.memory_space<vmem>>
          %dma_wait3A_314 = tpu.memref_squeeze %dma_wait3A_313 : memref<1x125x64xf32, #tpu.memory_space<vmem>> -> memref<125x64xf32, #tpu.memory_space<vmem>>
          %dma_wait3A_315 = arith.constant 0 : i32
          %dma_wait3A_316 = tpu.memref_slice %arg9[%add3A_309, %dma_wait3A_315] : memref<160x125xi32, #tpu.memory_space<vmem>> -> memref<1x125xi32, #tpu.memory_space<vmem>>
          %dma_wait3A_317 = tpu.memref_squeeze %dma_wait3A_316 : memref<1x125xi32, #tpu.memory_space<vmem>> -> memref<125xi32, #tpu.memory_space<vmem>>
          %dma_wait3A_318 = arith.constant 0 : i32
          %dma_wait3A_319 = arith.constant 0 : i32
          %dma_wait3A_320 = tpu.memref_slice %arg12[%dma_wait3A_318, %dma_wait3A_319] : memref<10240x64xf32, #tpu.memory_space<vmem_shared>> -> memref<10240x64xf32, #tpu.memory_space<vmem_shared>>
          tpu.wait_indirect_dma semaphore(%arg14 : memref<!tpu.dma_semaphore, #tpu.memory_space<semaphore_mem>>) src(%dma_wait3A_314 : memref<125x64xf32, #tpu.memory_space<vmem>>) dst(%dma_wait3A_320 : memref<10240x64xf32, #tpu.memory_space<vmem_shared>>)
        } else {
        }
        %add3A_147 = arith.constant 3 : i32
        %add3A_148 = arith.addi %mul3A_89, %add3A_147 : i32
        %dma_start3A_149 = arith.constant 3 : i32
        %dma_start3A_150 = arith.constant 0 : i32
        %dma_start3A_151 = arith.constant 0 : i32
        %dma_start3A_152 = tpu.memref_slice %arg10[%dma_start3A_149, %dma_start3A_150, %dma_start3A_151] : memref<5x125x64xf32, #tpu.memory_space<vmem>> -> memref<1x125x64xf32, #tpu.memory_space<vmem>>
        %dma_start3A_153 = tpu.memref_squeeze %dma_start3A_152 : memref<1x125x64xf32, #tpu.memory_space<vmem>> -> memref<125x64xf32, #tpu.memory_space<vmem>>
        %dma_start3A_154 = arith.constant 0 : i32
        %dma_start3A_155 = tpu.memref_slice %arg8[%add3A_148, %dma_start3A_154] : memref<160x125xi32, #tpu.memory_space<vmem>> -> memref<1x125xi32, #tpu.memory_space<vmem>>
        %dma_start3A_156 = tpu.memref_squeeze %dma_start3A_155 : memref<1x125xi32, #tpu.memory_space<vmem>> -> memref<125xi32, #tpu.memory_space<vmem>>
        %dma_start3A_157 = arith.constant 0 : i32
        %dma_start3A_158 = arith.constant 0 : i32
        %dma_start3A_159 = tpu.memref_slice %arg3[%dma_start3A_157, %dma_start3A_158] : memref<10000x64xf32, #tpu.memory_space<hbm>> -> memref<10000x64xf32, #tpu.memory_space<hbm>>
        tpu.enqueue_indirect_dma source(%dma_start3A_159 : memref<10000x64xf32, #tpu.memory_space<hbm>>) target(%dma_start3A_153 : memref<125x64xf32, #tpu.memory_space<vmem>>) offsets(%dma_start3A_156 : memref<125xi32, #tpu.memory_space<vmem>>) semaphore(%arg13 : memref<!tpu.dma_semaphore, #tpu.memory_space<semaphore_mem>>)
        %gt3A_160 = arith.constant 0 : i32
        %gt3A_161 = arith.cmpi sgt, %add3A_87, %gt3A_160 : i32
        %convert_element_type3A_162 = arith.extui %gt3A_161 : i1 to i32
        %cond3A_163 = arith.constant 0 : i32
        %cond3A_164 = arith.cmpi ne, %convert_element_type3A_162, %cond3A_163 : i32
        scf.if %cond3A_164 {
          %add3A_308 = arith.constant 4 : i32
          %add3A_309 = arith.addi %mul3A_89, %add3A_308 : i32
          %dma_wait3A_310 = arith.constant 4 : i32
          %dma_wait3A_311 = arith.constant 0 : i32
          %dma_wait3A_312 = arith.constant 0 : i32
          %dma_wait3A_313 = tpu.memref_slice %arg10[%dma_wait3A_310, %dma_wait3A_311, %dma_wait3A_312] : memref<5x125x64xf32, #tpu.memory_space<vmem>> -> memref<1x125x64xf32, #tpu.memory_space<vmem>>
          %dma_wait3A_314 = tpu.memref_squeeze %dma_wait3A_313 : memref<1x125x64xf32, #tpu.memory_space<vmem>> -> memref<125x64xf32, #tpu.memory_space<vmem>>
          %dma_wait3A_315 = arith.constant 0 : i32
          %dma_wait3A_316 = tpu.memref_slice %arg9[%add3A_309, %dma_wait3A_315] : memref<160x125xi32, #tpu.memory_space<vmem>> -> memref<1x125xi32, #tpu.memory_space<vmem>>
          %dma_wait3A_317 = tpu.memref_squeeze %dma_wait3A_316 : memref<1x125xi32, #tpu.memory_space<vmem>> -> memref<125xi32, #tpu.memory_space<vmem>>
          %dma_wait3A_318 = arith.constant 0 : i32
          %dma_wait3A_319 = arith.constant 0 : i32
          %dma_wait3A_320 = tpu.memref_slice %arg12[%dma_wait3A_318, %dma_wait3A_319] : memref<10240x64xf32, #tpu.memory_space<vmem_shared>> -> memref<10240x64xf32, #tpu.memory_space<vmem_shared>>
          tpu.wait_indirect_dma semaphore(%arg14 : memref<!tpu.dma_semaphore, #tpu.memory_space<semaphore_mem>>) src(%dma_wait3A_314 : memref<125x64xf32, #tpu.memory_space<vmem>>) dst(%dma_wait3A_320 : memref<10240x64xf32, #tpu.memory_space<vmem_shared>>)
        } else {
        }
        %add3A_165 = arith.constant 4 : i32
        %add3A_166 = arith.addi %mul3A_89, %add3A_165 : i32
        %dma_start3A_167 = arith.constant 4 : i32
        %dma_start3A_168 = arith.constant 0 : i32
        %dma_start3A_169 = arith.constant 0 : i32
        %dma_start3A_170 = tpu.memref_slice %arg10[%dma_start3A_167, %dma_start3A_168, %dma_start3A_169] : memref<5x125x64xf32, #tpu.memory_space<vmem>> -> memref<1x125x64xf32, #tpu.memory_space<vmem>>
        %dma_start3A_171 = tpu.memref_squeeze %dma_start3A_170 : memref<1x125x64xf32, #tpu.memory_space<vmem>> -> memref<125x64xf32, #tpu.memory_space<vmem>>
        %dma_start3A_172 = arith.constant 0 : i32
        %dma_start3A_173 = tpu.memref_slice %arg8[%add3A_166, %dma_start3A_172] : memref<160x125xi32, #tpu.memory_space<vmem>> -> memref<1x125xi32, #tpu.memory_space<vmem>>
        %dma_start3A_174 = tpu.memref_squeeze %dma_start3A_173 : memref<1x125xi32, #tpu.memory_space<vmem>> -> memref<125xi32, #tpu.memory_space<vmem>>
        %dma_start3A_175 = arith.constant 0 : i32
        %dma_start3A_176 = arith.constant 0 : i32
        %dma_start3A_177 = tpu.memref_slice %arg3[%dma_start3A_175, %dma_start3A_176] : memref<10000x64xf32, #tpu.memory_space<hbm>> -> memref<10000x64xf32, #tpu.memory_space<hbm>>
        tpu.enqueue_indirect_dma source(%dma_start3A_177 : memref<10000x64xf32, #tpu.memory_space<hbm>>) target(%dma_start3A_171 : memref<125x64xf32, #tpu.memory_space<vmem>>) offsets(%dma_start3A_174 : memref<125xi32, #tpu.memory_space<vmem>>) semaphore(%arg13 : memref<!tpu.dma_semaphore, #tpu.memory_space<semaphore_mem>>)
        %add3A_178 = arith.constant 0 : i32
        %add3A_179 = arith.addi %mul3A_89, %add3A_178 : i32
        %dma_wait3A_180 = arith.constant 0 : i32
        %dma_wait3A_181 = arith.constant 0 : i32
        %dma_wait3A_182 = arith.constant 0 : i32
        %dma_wait3A_183 = tpu.memref_slice %arg10[%dma_wait3A_180, %dma_wait3A_181, %dma_wait3A_182] : memref<5x125x64xf32, #tpu.memory_space<vmem>> -> memref<1x125x64xf32, #tpu.memory_space<vmem>>
        %dma_wait3A_184 = tpu.memref_squeeze %dma_wait3A_183 : memref<1x125x64xf32, #tpu.memory_space<vmem>> -> memref<125x64xf32, #tpu.memory_space<vmem>>
        %dma_wait3A_185 = arith.constant 0 : i32
        %dma_wait3A_186 = tpu.memref_slice %arg8[%add3A_179, %dma_wait3A_185] : memref<160x125xi32, #tpu.memory_space<vmem>> -> memref<1x125xi32, #tpu.memory_space<vmem>>
        %dma_wait3A_187 = tpu.memref_squeeze %dma_wait3A_186 : memref<1x125xi32, #tpu.memory_space<vmem>> -> memref<125xi32, #tpu.memory_space<vmem>>
        %dma_wait3A_188 = arith.constant 0 : i32
        %dma_wait3A_189 = arith.constant 0 : i32
        %dma_wait3A_190 = tpu.memref_slice %arg3[%dma_wait3A_188, %dma_wait3A_189] : memref<10000x64xf32, #tpu.memory_space<hbm>> -> memref<10000x64xf32, #tpu.memory_space<hbm>>
        tpu.wait_indirect_dma semaphore(%arg13 : memref<!tpu.dma_semaphore, #tpu.memory_space<semaphore_mem>>) src(%dma_wait3A_190 : memref<10000x64xf32, #tpu.memory_space<hbm>>) dst(%dma_wait3A_184 : memref<125x64xf32, #tpu.memory_space<vmem>>)
        %add3A_191 = arith.constant 0 : i32
        %add3A_192 = arith.addi %mul3A_89, %add3A_191 : i32
        %dma_start3A_193 = arith.constant 0 : i32
        %dma_start3A_194 = arith.constant 0 : i32
        %dma_start3A_195 = arith.constant 0 : i32
        %dma_start3A_196 = tpu.memref_slice %arg10[%dma_start3A_193, %dma_start3A_194, %dma_start3A_195] : memref<5x125x64xf32, #tpu.memory_space<vmem>> -> memref<1x125x64xf32, #tpu.memory_space<vmem>>
        %dma_start3A_197 = tpu.memref_squeeze %dma_start3A_196 : memref<1x125x64xf32, #tpu.memory_space<vmem>> -> memref<125x64xf32, #tpu.memory_space<vmem>>
        %dma_start3A_198 = arith.constant 0 : i32
        %dma_start3A_199 = tpu.memref_slice %arg9[%add3A_192, %dma_start3A_198] : memref<160x125xi32, #tpu.memory_space<vmem>> -> memref<1x125xi32, #tpu.memory_space<vmem>>
        %dma_start3A_200 = tpu.memref_squeeze %dma_start3A_199 : memref<1x125xi32, #tpu.memory_space<vmem>> -> memref<125xi32, #tpu.memory_space<vmem>>
        %dma_start3A_201 = arith.constant 0 : i32
        %dma_start3A_202 = arith.constant 0 : i32
        %dma_start3A_203 = tpu.memref_slice %arg12[%dma_start3A_201, %dma_start3A_202] : memref<10240x64xf32, #tpu.memory_space<vmem_shared>> -> memref<10240x64xf32, #tpu.memory_space<vmem_shared>>
        tpu.enqueue_indirect_dma source(%dma_start3A_197 : memref<125x64xf32, #tpu.memory_space<vmem>>) target(%dma_start3A_203 : memref<10240x64xf32, #tpu.memory_space<vmem_shared>>) offsets(%dma_start3A_200 : memref<125xi32, #tpu.memory_space<vmem>>) semaphore(%arg14 : memref<!tpu.dma_semaphore, #tpu.memory_space<semaphore_mem>>) {add = true}
        %add3A_204 = arith.constant 1 : i32
        %add3A_205 = arith.addi %mul3A_89, %add3A_204 : i32
        %dma_wait3A_206 = arith.constant 1 : i32
        %dma_wait3A_207 = arith.constant 0 : i32
        %dma_wait3A_208 = arith.constant 0 : i32
        %dma_wait3A_209 = tpu.memref_slice %arg10[%dma_wait3A_206, %dma_wait3A_207, %dma_wait3A_208] : memref<5x125x64xf32, #tpu.memory_space<vmem>> -> memref<1x125x64xf32, #tpu.memory_space<vmem>>
        %dma_wait3A_210 = tpu.memref_squeeze %dma_wait3A_209 : memref<1x125x64xf32, #tpu.memory_space<vmem>> -> memref<125x64xf32, #tpu.memory_space<vmem>>
        %dma_wait3A_211 = arith.constant 0 : i32
        %dma_wait3A_212 = tpu.memref_slice %arg8[%add3A_205, %dma_wait3A_211] : memref<160x125xi32, #tpu.memory_space<vmem>> -> memref<1x125xi32, #tpu.memory_space<vmem>>
        %dma_wait3A_213 = tpu.memref_squeeze %dma_wait3A_212 : memref<1x125xi32, #tpu.memory_space<vmem>> -> memref<125xi32, #tpu.memory_space<vmem>>
        %dma_wait3A_214 = arith.constant 0 : i32
        %dma_wait3A_215 = arith.constant 0 : i32
        %dma_wait3A_216 = tpu.memref_slice %arg3[%dma_wait3A_214, %dma_wait3A_215] : memref<10000x64xf32, #tpu.memory_space<hbm>> -> memref<10000x64xf32, #tpu.memory_space<hbm>>
        tpu.wait_indirect_dma semaphore(%arg13 : memref<!tpu.dma_semaphore, #tpu.memory_space<semaphore_mem>>) src(%dma_wait3A_216 : memref<10000x64xf32, #tpu.memory_space<hbm>>) dst(%dma_wait3A_210 : memref<125x64xf32, #tpu.memory_space<vmem>>)
        %add3A_217 = arith.constant 1 : i32
        %add3A_218 = arith.addi %mul3A_89, %add3A_217 : i32
        %dma_start3A_219 = arith.constant 1 : i32
        %dma_start3A_220 = arith.constant 0 : i32
        %dma_start3A_221 = arith.constant 0 : i32
        %dma_start3A_222 = tpu.memref_slice %arg10[%dma_start3A_219, %dma_start3A_220, %dma_start3A_221] : memref<5x125x64xf32, #tpu.memory_space<vmem>> -> memref<1x125x64xf32, #tpu.memory_space<vmem>>
        %dma_start3A_223 = tpu.memref_squeeze %dma_start3A_222 : memref<1x125x64xf32, #tpu.memory_space<vmem>> -> memref<125x64xf32, #tpu.memory_space<vmem>>
        %dma_start3A_224 = arith.constant 0 : i32
        %dma_start3A_225 = tpu.memref_slice %arg9[%add3A_218, %dma_start3A_224] : memref<160x125xi32, #tpu.memory_space<vmem>> -> memref<1x125xi32, #tpu.memory_space<vmem>>
        %dma_start3A_226 = tpu.memref_squeeze %dma_start3A_225 : memref<1x125xi32, #tpu.memory_space<vmem>> -> memref<125xi32, #tpu.memory_space<vmem>>
        %dma_start3A_227 = arith.constant 0 : i32
        %dma_start3A_228 = arith.constant 0 : i32
        %dma_start3A_229 = tpu.memref_slice %arg12[%dma_start3A_227, %dma_start3A_228] : memref<10240x64xf32, #tpu.memory_space<vmem_shared>> -> memref<10240x64xf32, #tpu.memory_space<vmem_shared>>
        tpu.enqueue_indirect_dma source(%dma_start3A_223 : memref<125x64xf32, #tpu.memory_space<vmem>>) target(%dma_start3A_229 : memref<10240x64xf32, #tpu.memory_space<vmem_shared>>) offsets(%dma_start3A_226 : memref<125xi32, #tpu.memory_space<vmem>>) semaphore(%arg14 : memref<!tpu.dma_semaphore, #tpu.memory_space<semaphore_mem>>) {add = true}
        %add3A_230 = arith.constant 2 : i32
        %add3A_231 = arith.addi %mul3A_89, %add3A_230 : i32
        %dma_wait3A_232 = arith.constant 2 : i32
        %dma_wait3A_233 = arith.constant 0 : i32
        %dma_wait3A_234 = arith.constant 0 : i32
        %dma_wait3A_235 = tpu.memref_slice %arg10[%dma_wait3A_232, %dma_wait3A_233, %dma_wait3A_234] : memref<5x125x64xf32, #tpu.memory_space<vmem>> -> memref<1x125x64xf32, #tpu.memory_space<vmem>>
        %dma_wait3A_236 = tpu.memref_squeeze %dma_wait3A_235 : memref<1x125x64xf32, #tpu.memory_space<vmem>> -> memref<125x64xf32, #tpu.memory_space<vmem>>
        %dma_wait3A_237 = arith.constant 0 : i32
        %dma_wait3A_238 = tpu.memref_slice %arg8[%add3A_231, %dma_wait3A_237] : memref<160x125xi32, #tpu.memory_space<vmem>> -> memref<1x125xi32, #tpu.memory_space<vmem>>
        %dma_wait3A_239 = tpu.memref_squeeze %dma_wait3A_238 : memref<1x125xi32, #tpu.memory_space<vmem>> -> memref<125xi32, #tpu.memory_space<vmem>>
        %dma_wait3A_240 = arith.constant 0 : i32
        %dma_wait3A_241 = arith.constant 0 : i32
        %dma_wait3A_242 = tpu.memref_slice %arg3[%dma_wait3A_240, %dma_wait3A_241] : memref<10000x64xf32, #tpu.memory_space<hbm>> -> memref<10000x64xf32, #tpu.memory_space<hbm>>
        tpu.wait_indirect_dma semaphore(%arg13 : memref<!tpu.dma_semaphore, #tpu.memory_space<semaphore_mem>>) src(%dma_wait3A_242 : memref<10000x64xf32, #tpu.memory_space<hbm>>) dst(%dma_wait3A_236 : memref<125x64xf32, #tpu.memory_space<vmem>>)
        %add3A_243 = arith.constant 2 : i32
        %add3A_244 = arith.addi %mul3A_89, %add3A_243 : i32
        %dma_start3A_245 = arith.constant 2 : i32
        %dma_start3A_246 = arith.constant 0 : i32
        %dma_start3A_247 = arith.constant 0 : i32
        %dma_start3A_248 = tpu.memref_slice %arg10[%dma_start3A_245, %dma_start3A_246, %dma_start3A_247] : memref<5x125x64xf32, #tpu.memory_space<vmem>> -> memref<1x125x64xf32, #tpu.memory_space<vmem>>
        %dma_start3A_249 = tpu.memref_squeeze %dma_start3A_248 : memref<1x125x64xf32, #tpu.memory_space<vmem>> -> memref<125x64xf32, #tpu.memory_space<vmem>>
        %dma_start3A_250 = arith.constant 0 : i32
        %dma_start3A_251 = tpu.memref_slice %arg9[%add3A_244, %dma_start3A_250] : memref<160x125xi32, #tpu.memory_space<vmem>> -> memref<1x125xi32, #tpu.memory_space<vmem>>
        %dma_start3A_252 = tpu.memref_squeeze %dma_start3A_251 : memref<1x125xi32, #tpu.memory_space<vmem>> -> memref<125xi32, #tpu.memory_space<vmem>>
        %dma_start3A_253 = arith.constant 0 : i32
        %dma_start3A_254 = arith.constant 0 : i32
        %dma_start3A_255 = tpu.memref_slice %arg12[%dma_start3A_253, %dma_start3A_254] : memref<10240x64xf32, #tpu.memory_space<vmem_shared>> -> memref<10240x64xf32, #tpu.memory_space<vmem_shared>>
        tpu.enqueue_indirect_dma source(%dma_start3A_249 : memref<125x64xf32, #tpu.memory_space<vmem>>) target(%dma_start3A_255 : memref<10240x64xf32, #tpu.memory_space<vmem_shared>>) offsets(%dma_start3A_252 : memref<125xi32, #tpu.memory_space<vmem>>) semaphore(%arg14 : memref<!tpu.dma_semaphore, #tpu.memory_space<semaphore_mem>>) {add = true}
        %add3A_256 = arith.constant 3 : i32
        %add3A_257 = arith.addi %mul3A_89, %add3A_256 : i32
        %dma_wait3A_258 = arith.constant 3 : i32
        %dma_wait3A_259 = arith.constant 0 : i32
        %dma_wait3A_260 = arith.constant 0 : i32
        %dma_wait3A_261 = tpu.memref_slice %arg10[%dma_wait3A_258, %dma_wait3A_259, %dma_wait3A_260] : memref<5x125x64xf32, #tpu.memory_space<vmem>> -> memref<1x125x64xf32, #tpu.memory_space<vmem>>
        %dma_wait3A_262 = tpu.memref_squeeze %dma_wait3A_261 : memref<1x125x64xf32, #tpu.memory_space<vmem>> -> memref<125x64xf32, #tpu.memory_space<vmem>>
        %dma_wait3A_263 = arith.constant 0 : i32
        %dma_wait3A_264 = tpu.memref_slice %arg8[%add3A_257, %dma_wait3A_263] : memref<160x125xi32, #tpu.memory_space<vmem>> -> memref<1x125xi32, #tpu.memory_space<vmem>>
        %dma_wait3A_265 = tpu.memref_squeeze %dma_wait3A_264 : memref<1x125xi32, #tpu.memory_space<vmem>> -> memref<125xi32, #tpu.memory_space<vmem>>
        %dma_wait3A_266 = arith.constant 0 : i32
        %dma_wait3A_267 = arith.constant 0 : i32
        %dma_wait3A_268 = tpu.memref_slice %arg3[%dma_wait3A_266, %dma_wait3A_267] : memref<10000x64xf32, #tpu.memory_space<hbm>> -> memref<10000x64xf32, #tpu.memory_space<hbm>>
        tpu.wait_indirect_dma semaphore(%arg13 : memref<!tpu.dma_semaphore, #tpu.memory_space<semaphore_mem>>) src(%dma_wait3A_268 : memref<10000x64xf32, #tpu.memory_space<hbm>>) dst(%dma_wait3A_262 : memref<125x64xf32, #tpu.memory_space<vmem>>)
        %add3A_269 = arith.constant 3 : i32
        %add3A_270 = arith.addi %mul3A_89, %add3A_269 : i32
        %dma_start3A_271 = arith.constant 3 : i32
        %dma_start3A_272 = arith.constant 0 : i32
        %dma_start3A_273 = arith.constant 0 : i32
        %dma_start3A_274 = tpu.memref_slice %arg10[%dma_start3A_271, %dma_start3A_272, %dma_start3A_273] : memref<5x125x64xf32, #tpu.memory_space<vmem>> -> memref<1x125x64xf32, #tpu.memory_space<vmem>>
        %dma_start3A_275 = tpu.memref_squeeze %dma_start3A_274 : memref<1x125x64xf32, #tpu.memory_space<vmem>> -> memref<125x64xf32, #tpu.memory_space<vmem>>
        %dma_start3A_276 = arith.constant 0 : i32
        %dma_start3A_277 = tpu.memref_slice %arg9[%add3A_270, %dma_start3A_276] : memref<160x125xi32, #tpu.memory_space<vmem>> -> memref<1x125xi32, #tpu.memory_space<vmem>>
        %dma_start3A_278 = tpu.memref_squeeze %dma_start3A_277 : memref<1x125xi32, #tpu.memory_space<vmem>> -> memref<125xi32, #tpu.memory_space<vmem>>
        %dma_start3A_279 = arith.constant 0 : i32
        %dma_start3A_280 = arith.constant 0 : i32
        %dma_start3A_281 = tpu.memref_slice %arg12[%dma_start3A_279, %dma_start3A_280] : memref<10240x64xf32, #tpu.memory_space<vmem_shared>> -> memref<10240x64xf32, #tpu.memory_space<vmem_shared>>
        tpu.enqueue_indirect_dma source(%dma_start3A_275 : memref<125x64xf32, #tpu.memory_space<vmem>>) target(%dma_start3A_281 : memref<10240x64xf32, #tpu.memory_space<vmem_shared>>) offsets(%dma_start3A_278 : memref<125xi32, #tpu.memory_space<vmem>>) semaphore(%arg14 : memref<!tpu.dma_semaphore, #tpu.memory_space<semaphore_mem>>) {add = true}
        %add3A_282 = arith.constant 4 : i32
        %add3A_283 = arith.addi %mul3A_89, %add3A_282 : i32
        %dma_wait3A_284 = arith.constant 4 : i32
        %dma_wait3A_285 = arith.constant 0 : i32
        %dma_wait3A_286 = arith.constant 0 : i32
        %dma_wait3A_287 = tpu.memref_slice %arg10[%dma_wait3A_284, %dma_wait3A_285, %dma_wait3A_286] : memref<5x125x64xf32, #tpu.memory_space<vmem>> -> memref<1x125x64xf32, #tpu.memory_space<vmem>>
        %dma_wait3A_288 = tpu.memref_squeeze %dma_wait3A_287 : memref<1x125x64xf32, #tpu.memory_space<vmem>> -> memref<125x64xf32, #tpu.memory_space<vmem>>
        %dma_wait3A_289 = arith.constant 0 : i32
        %dma_wait3A_290 = tpu.memref_slice %arg8[%add3A_283, %dma_wait3A_289] : memref<160x125xi32, #tpu.memory_space<vmem>> -> memref<1x125xi32, #tpu.memory_space<vmem>>
        %dma_wait3A_291 = tpu.memref_squeeze %dma_wait3A_290 : memref<1x125xi32, #tpu.memory_space<vmem>> -> memref<125xi32, #tpu.memory_space<vmem>>
        %dma_wait3A_292 = arith.constant 0 : i32
        %dma_wait3A_293 = arith.constant 0 : i32
        %dma_wait3A_294 = tpu.memref_slice %arg3[%dma_wait3A_292, %dma_wait3A_293] : memref<10000x64xf32, #tpu.memory_space<hbm>> -> memref<10000x64xf32, #tpu.memory_space<hbm>>
        tpu.wait_indirect_dma semaphore(%arg13 : memref<!tpu.dma_semaphore, #tpu.memory_space<semaphore_mem>>) src(%dma_wait3A_294 : memref<10000x64xf32, #tpu.memory_space<hbm>>) dst(%dma_wait3A_288 : memref<125x64xf32, #tpu.memory_space<vmem>>)
        %add3A_295 = arith.constant 4 : i32
        %add3A_296 = arith.addi %mul3A_89, %add3A_295 : i32
        %dma_start3A_297 = arith.constant 4 : i32
        %dma_start3A_298 = arith.constant 0 : i32
        %dma_start3A_299 = arith.constant 0 : i32
        %dma_start3A_300 = tpu.memref_slice %arg10[%dma_start3A_297, %dma_start3A_298, %dma_start3A_299] : memref<5x125x64xf32, #tpu.memory_space<vmem>> -> memref<1x125x64xf32, #tpu.memory_space<vmem>>
        %dma_start3A_301 = tpu.memref_squeeze %dma_start3A_300 : memref<1x125x64xf32, #tpu.memory_space<vmem>> -> memref<125x64xf32, #tpu.memory_space<vmem>>
        %dma_start3A_302 = arith.constant 0 : i32
        %dma_start3A_303 = tpu.memref_slice %arg9[%add3A_296, %dma_start3A_302] : memref<160x125xi32, #tpu.memory_space<vmem>> -> memref<1x125xi32, #tpu.memory_space<vmem>>
        %dma_start3A_304 = tpu.memref_squeeze %dma_start3A_303 : memref<1x125xi32, #tpu.memory_space<vmem>> -> memref<125xi32, #tpu.memory_space<vmem>>
        %dma_start3A_305 = arith.constant 0 : i32
        %dma_start3A_306 = arith.constant 0 : i32
        %dma_start3A_307 = tpu.memref_slice %arg12[%dma_start3A_305, %dma_start3A_306] : memref<10240x64xf32, #tpu.memory_space<vmem_shared>> -> memref<10240x64xf32, #tpu.memory_space<vmem_shared>>
        tpu.enqueue_indirect_dma source(%dma_start3A_301 : memref<125x64xf32, #tpu.memory_space<vmem>>) target(%dma_start3A_307 : memref<10240x64xf32, #tpu.memory_space<vmem_shared>>) offsets(%dma_start3A_304 : memref<125xi32, #tpu.memory_space<vmem>>) semaphore(%arg14 : memref<!tpu.dma_semaphore, #tpu.memory_space<semaphore_mem>>) {add = true}
      }
      %scan3A_20 = arith.constant 32 : i32
      %dma_wait3A = arith.constant 0 : i32
      %dma_wait3A_21 = arith.constant 0 : i32
      %dma_wait3A_22 = arith.constant 0 : i32
      %dma_wait3A_23 = arith.constant 0 : i32
      %dma_wait3A_24 = tpu.memref_slice %arg10[%dma_wait3A, %dma_wait3A_22, %dma_wait3A_23] : memref<5x125x64xf32, #tpu.memory_space<vmem>> -> memref<1x125x64xf32, #tpu.memory_space<vmem>>
      %dma_wait3A_25 = tpu.memref_squeeze %dma_wait3A_24 : memref<1x125x64xf32, #tpu.memory_space<vmem>> -> memref<125x64xf32, #tpu.memory_space<vmem>>
      %dma_wait3A_26 = arith.constant 0 : i32
      %dma_wait3A_27 = tpu.memref_slice %arg9[%dma_wait3A_21, %dma_wait3A_26] : memref<160x125xi32, #tpu.memory_space<vmem>> -> memref<1x125xi32, #tpu.memory_space<vmem>>
      %dma_wait3A_28 = tpu.memref_squeeze %dma_wait3A_27 : memref<1x125xi32, #tpu.memory_space<vmem>> -> memref<125xi32, #tpu.memory_space<vmem>>
      %dma_wait3A_29 = arith.constant 0 : i32
      %dma_wait3A_30 = arith.constant 0 : i32
      %dma_wait3A_31 = tpu.memref_slice %arg12[%dma_wait3A_29, %dma_wait3A_30] : memref<10240x64xf32, #tpu.memory_space<vmem_shared>> -> memref<10240x64xf32, #tpu.memory_space<vmem_shared>>
      tpu.wait_indirect_dma semaphore(%arg14 : memref<!tpu.dma_semaphore, #tpu.memory_space<semaphore_mem>>) src(%dma_wait3A_25 : memref<125x64xf32, #tpu.memory_space<vmem>>) dst(%dma_wait3A_31 : memref<10240x64xf32, #tpu.memory_space<vmem_shared>>)
      %dma_wait3A_32 = arith.constant 1 : i32
      %dma_wait3A_33 = arith.constant 1 : i32
      %dma_wait3A_34 = arith.constant 0 : i32
      %dma_wait3A_35 = arith.constant 0 : i32
      %dma_wait3A_36 = tpu.memref_slice %arg10[%dma_wait3A_32, %dma_wait3A_34, %dma_wait3A_35] : memref<5x125x64xf32, #tpu.memory_space<vmem>> -> memref<1x125x64xf32, #tpu.memory_space<vmem>>
      %dma_wait3A_37 = tpu.memref_squeeze %dma_wait3A_36 : memref<1x125x64xf32, #tpu.memory_space<vmem>> -> memref<125x64xf32, #tpu.memory_space<vmem>>
      %dma_wait3A_38 = arith.constant 0 : i32
      %dma_wait3A_39 = tpu.memref_slice %arg9[%dma_wait3A_33, %dma_wait3A_38] : memref<160x125xi32, #tpu.memory_space<vmem>> -> memref<1x125xi32, #tpu.memory_space<vmem>>
      %dma_wait3A_40 = tpu.memref_squeeze %dma_wait3A_39 : memref<1x125xi32, #tpu.memory_space<vmem>> -> memref<125xi32, #tpu.memory_space<vmem>>
      %dma_wait3A_41 = arith.constant 0 : i32
      %dma_wait3A_42 = arith.constant 0 : i32
      %dma_wait3A_43 = tpu.memref_slice %arg12[%dma_wait3A_41, %dma_wait3A_42] : memref<10240x64xf32, #tpu.memory_space<vmem_shared>> -> memref<10240x64xf32, #tpu.memory_space<vmem_shared>>
      tpu.wait_indirect_dma semaphore(%arg14 : memref<!tpu.dma_semaphore, #tpu.memory_space<semaphore_mem>>) src(%dma_wait3A_37 : memref<125x64xf32, #tpu.memory_space<vmem>>) dst(%dma_wait3A_43 : memref<10240x64xf32, #tpu.memory_space<vmem_shared>>)
      %dma_wait3A_44 = arith.constant 2 : i32
      %dma_wait3A_45 = arith.constant 2 : i32
      %dma_wait3A_46 = arith.constant 0 : i32
      %dma_wait3A_47 = arith.constant 0 : i32
      %dma_wait3A_48 = tpu.memref_slice %arg10[%dma_wait3A_44, %dma_wait3A_46, %dma_wait3A_47] : memref<5x125x64xf32, #tpu.memory_space<vmem>> -> memref<1x125x64xf32, #tpu.memory_space<vmem>>
      %dma_wait3A_49 = tpu.memref_squeeze %dma_wait3A_48 : memref<1x125x64xf32, #tpu.memory_space<vmem>> -> memref<125x64xf32, #tpu.memory_space<vmem>>
      %dma_wait3A_50 = arith.constant 0 : i32
      %dma_wait3A_51 = tpu.memref_slice %arg9[%dma_wait3A_45, %dma_wait3A_50] : memref<160x125xi32, #tpu.memory_space<vmem>> -> memref<1x125xi32, #tpu.memory_space<vmem>>
      %dma_wait3A_52 = tpu.memref_squeeze %dma_wait3A_51 : memref<1x125xi32, #tpu.memory_space<vmem>> -> memref<125xi32, #tpu.memory_space<vmem>>
      %dma_wait3A_53 = arith.constant 0 : i32
      %dma_wait3A_54 = arith.constant 0 : i32
      %dma_wait3A_55 = tpu.memref_slice %arg12[%dma_wait3A_53, %dma_wait3A_54] : memref<10240x64xf32, #tpu.memory_space<vmem_shared>> -> memref<10240x64xf32, #tpu.memory_space<vmem_shared>>
      tpu.wait_indirect_dma semaphore(%arg14 : memref<!tpu.dma_semaphore, #tpu.memory_space<semaphore_mem>>) src(%dma_wait3A_49 : memref<125x64xf32, #tpu.memory_space<vmem>>) dst(%dma_wait3A_55 : memref<10240x64xf32, #tpu.memory_space<vmem_shared>>)
      %dma_wait3A_56 = arith.constant 3 : i32
      %dma_wait3A_57 = arith.constant 3 : i32
      %dma_wait3A_58 = arith.constant 0 : i32
      %dma_wait3A_59 = arith.constant 0 : i32
      %dma_wait3A_60 = tpu.memref_slice %arg10[%dma_wait3A_56, %dma_wait3A_58, %dma_wait3A_59] : memref<5x125x64xf32, #tpu.memory_space<vmem>> -> memref<1x125x64xf32, #tpu.memory_space<vmem>>
      %dma_wait3A_61 = tpu.memref_squeeze %dma_wait3A_60 : memref<1x125x64xf32, #tpu.memory_space<vmem>> -> memref<125x64xf32, #tpu.memory_space<vmem>>
      %dma_wait3A_62 = arith.constant 0 : i32
      %dma_wait3A_63 = tpu.memref_slice %arg9[%dma_wait3A_57, %dma_wait3A_62] : memref<160x125xi32, #tpu.memory_space<vmem>> -> memref<1x125xi32, #tpu.memory_space<vmem>>
      %dma_wait3A_64 = tpu.memref_squeeze %dma_wait3A_63 : memref<1x125xi32, #tpu.memory_space<vmem>> -> memref<125xi32, #tpu.memory_space<vmem>>
      %dma_wait3A_65 = arith.constant 0 : i32
      %dma_wait3A_66 = arith.constant 0 : i32
      %dma_wait3A_67 = tpu.memref_slice %arg12[%dma_wait3A_65, %dma_wait3A_66] : memref<10240x64xf32, #tpu.memory_space<vmem_shared>> -> memref<10240x64xf32, #tpu.memory_space<vmem_shared>>
      tpu.wait_indirect_dma semaphore(%arg14 : memref<!tpu.dma_semaphore, #tpu.memory_space<semaphore_mem>>) src(%dma_wait3A_61 : memref<125x64xf32, #tpu.memory_space<vmem>>) dst(%dma_wait3A_67 : memref<10240x64xf32, #tpu.memory_space<vmem_shared>>)
      %dma_wait3A_68 = arith.constant 4 : i32
      %dma_wait3A_69 = arith.constant 4 : i32
      %dma_wait3A_70 = arith.constant 0 : i32
      %dma_wait3A_71 = arith.constant 0 : i32
      %dma_wait3A_72 = tpu.memref_slice %arg10[%dma_wait3A_68, %dma_wait3A_70, %dma_wait3A_71] : memref<5x125x64xf32, #tpu.memory_space<vmem>> -> memref<1x125x64xf32, #tpu.memory_space<vmem>>
      %dma_wait3A_73 = tpu.memref_squeeze %dma_wait3A_72 : memref<1x125x64xf32, #tpu.memory_space<vmem>> -> memref<125x64xf32, #tpu.memory_space<vmem>>
      %dma_wait3A_74 = arith.constant 0 : i32
      %dma_wait3A_75 = tpu.memref_slice %arg9[%dma_wait3A_69, %dma_wait3A_74] : memref<160x125xi32, #tpu.memory_space<vmem>> -> memref<1x125xi32, #tpu.memory_space<vmem>>
      %dma_wait3A_76 = tpu.memref_squeeze %dma_wait3A_75 : memref<1x125xi32, #tpu.memory_space<vmem>> -> memref<125xi32, #tpu.memory_space<vmem>>
      %dma_wait3A_77 = arith.constant 0 : i32
      %dma_wait3A_78 = arith.constant 0 : i32
      %dma_wait3A_79 = tpu.memref_slice %arg12[%dma_wait3A_77, %dma_wait3A_78] : memref<10240x64xf32, #tpu.memory_space<vmem_shared>> -> memref<10240x64xf32, #tpu.memory_space<vmem_shared>>
      tpu.wait_indirect_dma semaphore(%arg14 : memref<!tpu.dma_semaphore, #tpu.memory_space<semaphore_mem>>) src(%dma_wait3A_73 : memref<125x64xf32, #tpu.memory_space<vmem>>) dst(%dma_wait3A_79 : memref<10240x64xf32, #tpu.memory_space<vmem_shared>>)
      %barrier3A_80 = arith.constant 0 : index
      tpu.barrier barrier_id(%barrier3A_80)
      %mul3A = arith.constant 640 : i32
      %mul3A_81 = arith.muli %arg1, %mul3A : i32
      %mul3A_82 = arith.constant 640 : i32
      %mul3A_83 = arith.muli %arg1, %mul3A_82 : i32
      "tpu.region"() ({
        %run_scoped3A = tpu.sem_alloc : memref<!tpu.dma_semaphore, #tpu.memory_space<semaphore_mem>>
        %dma_start3A = arith.constant 0 : i32
        %dma_start3A_84 = tpu.memref_slice %arg7[%mul3A_83, %dma_start3A] : memref<10240x64xf32, #tpu.memory_space<hbm>> -> memref<640x64xf32, #tpu.memory_space<hbm>>
        %dma_start3A_85 = arith.constant 0 : i32
        %dma_start3A_86 = tpu.memref_slice %arg12[%mul3A_81, %dma_start3A_85] : memref<10240x64xf32, #tpu.memory_space<vmem_shared>> -> memref<640x64xf32, #tpu.memory_space<vmem_shared>>
        tpu.enqueue_dma source(%dma_start3A_86 : memref<640x64xf32, #tpu.memory_space<vmem_shared>>) target(%dma_start3A_84 : memref<640x64xf32, #tpu.memory_space<hbm>>) target_semaphore(%run_scoped3A : memref<!tpu.dma_semaphore, #tpu.memory_space<semaphore_mem>>)
        %dma_wait3A_87 = arith.constant 0 : i32
        %dma_wait3A_88 = tpu.memref_slice %arg7[%mul3A_83, %dma_wait3A_87] : memref<10240x64xf32, #tpu.memory_space<hbm>> -> memref<640x64xf32, #tpu.memory_space<hbm>>
        %dma_wait3A_89 = arith.constant 0 : i32
        %dma_wait3A_90 = tpu.memref_slice %arg12[%mul3A_81, %dma_wait3A_89] : memref<10240x64xf32, #tpu.memory_space<vmem_shared>> -> memref<640x64xf32, #tpu.memory_space<vmem_shared>>
        tpu.wait_dma2 semaphore(%run_scoped3A : memref<!tpu.dma_semaphore, #tpu.memory_space<semaphore_mem>>) src(%dma_wait3A_90 : memref<640x64xf32, #tpu.memory_space<vmem_shared>>) dst(%dma_wait3A_88 : memref<640x64xf32, #tpu.memory_space<hbm>>)
        tpu.yield
      }) : () -> ()
    } else {
    }
    return
  }
}

#map = affine_map<(d0, d1) -> (0, 0, 0)>
module attributes {stable_mosaic.version = 14 : i64} {
  func.func @_deg_sc(%arg0: i32, %arg1: i32, %arg2: memref<32x80x125xi32, #tpu.memory_space<hbm>>, %arg3: memref<2x10240x16xf32, #tpu.memory_space<hbm>>, %arg4: memref<80x125xi32, #tpu.memory_space<vmem>>, %arg5: memref<125x16xf32, #tpu.memory_space<vmem>>, %arg6: memref<128x16xf32, #tpu.memory_space<vmem>>, %arg7: memref<10240x16xf32, #tpu.memory_space<vmem_shared>>) attributes {dimension_semantics = [#tpu.dimension_semantics<core_parallel>, #tpu.dimension_semantics<subcore_parallel>], iteration_bounds = array<i64: 2, 16>, scalar_prefetch = 0 : i64, scratch_operands = 4 : i64, tpu.core_type = #tpu.core_type<sc_vector_subcore>, window_params = [{transform_indices = #map}, {transform_indices = #map}]} {
    %mul3A = arith.constant 2 : i32
    %mul3A_0 = arith.muli %arg1, %mul3A : i32
    %add3A = arith.addi %mul3A_0, %arg0 : i32
    %scan3A = arith.constant 0 : i32
    %scan3A_1 = arith.constant 125 : i32
    %scan3A_2 = arith.addi %scan3A, %scan3A_1 : i32
    %scan3A_3 = arith.constant 1 : i32
    scf.for %scan3A_25 = %scan3A to %scan3A_2 step %scan3A_3  : i32 {
      %mul3A_26 = arith.constant 1 : i32
      %mul3A_27 = arith.muli %scan3A_25, %mul3A_26 : i32
      %add3A_28 = arith.constant 0 : i32
      %add3A_29 = arith.addi %add3A_28, %mul3A_27 : i32
      %broadcast_in_dim3A = arith.constant 1.000000e+00 : f32
      %broadcast_in_dim3A_30 = vector.broadcast %broadcast_in_dim3A : f32 to vector<16xf32>
      %swap3A = arith.index_cast %add3A_29 : i32 to index
      %swap3A_31 = arith.constant 0 : index
      %swap3A_32 = tpu.vector_load %arg5[%swap3A, %swap3A_31] {strides = array<i32>} : memref<125x16xf32, #tpu.memory_space<vmem>>, vector<1x16xf32>,
      %swap3A_33 = vector.shape_cast %swap3A_32 : vector<1x16xf32> to vector<16xf32>
      %swap3A_34 = vector.shape_cast %broadcast_in_dim3A_30 : vector<16xf32> to vector<1x16xf32>
      tpu.vector_store %arg5[%swap3A, %swap3A_31], %swap3A_34 {strides = array<i32>} : memref<125x16xf32, #tpu.memory_space<vmem>>, vector<1x16xf32>,
    }
    %scan3A_4 = arith.constant 125 : i32
    %scan3A_5 = arith.constant 0 : i32
    %scan3A_6 = arith.constant 128 : i32
    %scan3A_7 = arith.addi %scan3A_5, %scan3A_6 : i32
    %scan3A_8 = arith.constant 1 : i32
    scf.for %scan3A_25 = %scan3A_5 to %scan3A_7 step %scan3A_8  : i32 {
      %mul3A_26 = arith.constant 1 : i32
      %mul3A_27 = arith.muli %scan3A_25, %mul3A_26 : i32
      %add3A_28 = arith.constant 0 : i32
      %add3A_29 = arith.addi %add3A_28, %mul3A_27 : i32
      %broadcast_in_dim3A = arith.constant 0.000000e+00 : f32
      %broadcast_in_dim3A_30 = vector.broadcast %broadcast_in_dim3A : f32 to vector<16xf32>
      %swap3A = arith.index_cast %add3A_29 : i32 to index
      %swap3A_31 = arith.constant 0 : index
      %swap3A_32 = tpu.vector_load %arg6[%swap3A, %swap3A_31] {strides = array<i32>} : memref<128x16xf32, #tpu.memory_space<vmem>>, vector<1x16xf32>,
      %swap3A_33 = vector.shape_cast %swap3A_32 : vector<1x16xf32> to vector<16xf32>
      %swap3A_34 = vector.shape_cast %broadcast_in_dim3A_30 : vector<16xf32> to vector<1x16xf32>
      tpu.vector_store %arg6[%swap3A, %swap3A_31], %swap3A_34 {strides = array<i32>} : memref<128x16xf32, #tpu.memory_space<vmem>>, vector<1x16xf32>,
    }
    %scan3A_9 = arith.constant 128 : i32
    %scan3A_10 = arith.constant 0 : i32
    %scan3A_11 = arith.constant 5 : i32
    %scan3A_12 = arith.addi %scan3A_10, %scan3A_11 : i32
    %scan3A_13 = arith.constant 1 : i32
    scf.for %scan3A_25 = %scan3A_10 to %scan3A_12 step %scan3A_13  : i32 {
      %mul3A_26 = arith.constant 1 : i32
      %mul3A_27 = arith.muli %scan3A_25, %mul3A_26 : i32
      %add3A_28 = arith.constant 0 : i32
      %add3A_29 = arith.addi %add3A_28, %mul3A_27 : i32
      %mul3A_30 = arith.constant 640 : i32
      %mul3A_31 = arith.muli %arg1, %mul3A_30 : i32
      %mul3A_32 = arith.constant 128 : i32
      %mul3A_33 = arith.muli %add3A_29, %mul3A_32 : i32
      %add3A_34 = arith.addi %mul3A_31, %mul3A_33 : i32
      "tpu.region"() ({
        %run_scoped3A = tpu.sem_alloc : memref<!tpu.dma_semaphore, #tpu.memory_space<semaphore_mem>>
        %dma_start3A = arith.constant 0 : i32
        %dma_start3A_35 = tpu.memref_slice %arg7[%add3A_34, %dma_start3A] : memref<10240x16xf32, #tpu.memory_space<vmem_shared>> -> memref<128x16xf32, #tpu.memory_space<vmem_shared>>
        %dma_start3A_36 = arith.constant 0 : i32
        %dma_start3A_37 = tpu.memref_slice %arg7[%add3A_34, %dma_start3A_36] : memref<10240x16xf32, #tpu.memory_space<vmem_shared>> -> memref<128x16xf32, #tpu.memory_space<vmem_shared>>
        tpu.enqueue_dma source(%arg6 : memref<128x16xf32, #tpu.memory_space<vmem>>) target(%dma_start3A_37 : memref<128x16xf32, #tpu.memory_space<vmem_shared>>) target_semaphore(%run_scoped3A : memref<!tpu.dma_semaphore, #tpu.memory_space<semaphore_mem>>)
        %dma_wait3A = arith.constant 0 : i32
        %dma_wait3A_38 = tpu.memref_slice %arg7[%add3A_34, %dma_wait3A] : memref<10240x16xf32, #tpu.memory_space<vmem_shared>> -> memref<128x16xf32, #tpu.memory_space<vmem_shared>>
        %dma_wait3A_39 = arith.constant 0 : i32
        %dma_wait3A_40 = tpu.memref_slice %arg7[%add3A_34, %dma_wait3A_39] : memref<10240x16xf32, #tpu.memory_space<vmem_shared>> -> memref<128x16xf32, #tpu.memory_space<vmem_shared>>
        tpu.wait_dma2 semaphore(%run_scoped3A : memref<!tpu.dma_semaphore, #tpu.memory_space<semaphore_mem>>) src(%arg6 : memref<128x16xf32, #tpu.memory_space<vmem>>) dst(%dma_wait3A_40 : memref<128x16xf32, #tpu.memory_space<vmem_shared>>)
        tpu.yield
      }) : () -> ()
    }
    %scan3A_14 = arith.constant 5 : i32
    %barrier3A = arith.constant 0 : index
    tpu.barrier barrier_id(%barrier3A)
    "tpu.region"() ({
      %run_scoped3A = tpu.sem_alloc : memref<!tpu.dma_semaphore, #tpu.memory_space<semaphore_mem>>
      %dma_start3A = arith.constant 0 : i32
      %dma_start3A_25 = arith.constant 0 : i32
      %dma_start3A_26 = tpu.memref_slice %arg2[%add3A, %dma_start3A, %dma_start3A_25] : memref<32x80x125xi32, #tpu.memory_space<hbm>> -> memref<1x80x125xi32, #tpu.memory_space<hbm>>
      %dma_start3A_27 = tpu.memref_squeeze %dma_start3A_26 : memref<1x80x125xi32, #tpu.memory_space<hbm>> -> memref<80x125xi32, #tpu.memory_space<hbm>>
      %dma_start3A_28 = arith.constant 0 : i32
      %dma_start3A_29 = arith.constant 0 : i32
      %dma_start3A_30 = tpu.memref_slice %arg2[%add3A, %dma_start3A_28, %dma_start3A_29] : memref<32x80x125xi32, #tpu.memory_space<hbm>> -> memref<1x80x125xi32, #tpu.memory_space<hbm>>
      %dma_start3A_31 = tpu.memref_squeeze %dma_start3A_30 : memref<1x80x125xi32, #tpu.memory_space<hbm>> -> memref<80x125xi32, #tpu.memory_space<hbm>>
      tpu.enqueue_dma source(%dma_start3A_31 : memref<80x125xi32, #tpu.memory_space<hbm>>) target(%arg4 : memref<80x125xi32, #tpu.memory_space<vmem>>) target_semaphore(%run_scoped3A : memref<!tpu.dma_semaphore, #tpu.memory_space<semaphore_mem>>)
      %dma_wait3A = arith.constant 0 : i32
      %dma_wait3A_32 = arith.constant 0 : i32
      %dma_wait3A_33 = tpu.memref_slice %arg2[%add3A, %dma_wait3A, %dma_wait3A_32] : memref<32x80x125xi32, #tpu.memory_space<hbm>> -> memref<1x80x125xi32, #tpu.memory_space<hbm>>
      %dma_wait3A_34 = tpu.memref_squeeze %dma_wait3A_33 : memref<1x80x125xi32, #tpu.memory_space<hbm>> -> memref<80x125xi32, #tpu.memory_space<hbm>>
      %dma_wait3A_35 = arith.constant 0 : i32
      %dma_wait3A_36 = arith.constant 0 : i32
      %dma_wait3A_37 = tpu.memref_slice %arg2[%add3A, %dma_wait3A_35, %dma_wait3A_36] : memref<32x80x125xi32, #tpu.memory_space<hbm>> -> memref<1x80x125xi32, #tpu.memory_space<hbm>>
      %dma_wait3A_38 = tpu.memref_squeeze %dma_wait3A_37 : memref<1x80x125xi32, #tpu.memory_space<hbm>> -> memref<80x125xi32, #tpu.memory_space<hbm>>
      tpu.wait_dma2 semaphore(%run_scoped3A : memref<!tpu.dma_semaphore, #tpu.memory_space<semaphore_mem>>) src(%dma_wait3A_38 : memref<80x125xi32, #tpu.memory_space<hbm>>) dst(%arg4 : memref<80x125xi32, #tpu.memory_space<vmem>>)
      tpu.yield
    }) : () -> ()
    %scan3A_15 = arith.constant 0 : i32
    %scan3A_16 = arith.constant 80 : i32
    %scan3A_17 = arith.addi %scan3A_15, %scan3A_16 : i32
    %scan3A_18 = arith.constant 1 : i32
    scf.for %scan3A_25 = %scan3A_15 to %scan3A_17 step %scan3A_18  : i32 {
      %mul3A_26 = arith.constant 1 : i32
      %mul3A_27 = arith.muli %scan3A_25, %mul3A_26 : i32
      %add3A_28 = arith.constant 0 : i32
      %add3A_29 = arith.addi %add3A_28, %mul3A_27 : i32
      "tpu.region"() ({
        %run_scoped3A = tpu.sem_alloc : memref<!tpu.dma_semaphore, #tpu.memory_space<semaphore_mem>>
        %dma_start3A = arith.constant 0 : i32
        %dma_start3A_30 = tpu.memref_slice %arg4[%add3A_29, %dma_start3A] : memref<80x125xi32, #tpu.memory_space<vmem>> -> memref<1x125xi32, #tpu.memory_space<vmem>>
        %dma_start3A_31 = tpu.memref_squeeze %dma_start3A_30 : memref<1x125xi32, #tpu.memory_space<vmem>> -> memref<125xi32, #tpu.memory_space<vmem>>
        %dma_start3A_32 = arith.constant 0 : i32
        %dma_start3A_33 = arith.constant 0 : i32
        %dma_start3A_34 = tpu.memref_slice %arg7[%dma_start3A_32, %dma_start3A_33] : memref<10240x16xf32, #tpu.memory_space<vmem_shared>> -> memref<10240x16xf32, #tpu.memory_space<vmem_shared>>
        tpu.enqueue_indirect_dma source(%arg5 : memref<125x16xf32, #tpu.memory_space<vmem>>) target(%dma_start3A_34 : memref<10240x16xf32, #tpu.memory_space<vmem_shared>>) offsets(%dma_start3A_31 : memref<125xi32, #tpu.memory_space<vmem>>) semaphore(%run_scoped3A : memref<!tpu.dma_semaphore, #tpu.memory_space<semaphore_mem>>) {add = true}
        %dma_wait3A = arith.constant 0 : i32
        %dma_wait3A_35 = tpu.memref_slice %arg4[%add3A_29, %dma_wait3A] : memref<80x125xi32, #tpu.memory_space<vmem>> -> memref<1x125xi32, #tpu.memory_space<vmem>>
        %dma_wait3A_36 = tpu.memref_squeeze %dma_wait3A_35 : memref<1x125xi32, #tpu.memory_space<vmem>> -> memref<125xi32, #tpu.memory_space<vmem>>
        %dma_wait3A_37 = arith.constant 0 : i32
        %dma_wait3A_38 = arith.constant 0 : i32
        %dma_wait3A_39 = tpu.memref_slice %arg7[%dma_wait3A_37, %dma_wait3A_38] : memref<10240x16xf32, #tpu.memory_space<vmem_shared>> -> memref<10240x16xf32, #tpu.memory_space<vmem_shared>>
        tpu.wait_indirect_dma semaphore(%run_scoped3A : memref<!tpu.dma_semaphore, #tpu.memory_space<semaphore_mem>>) src(%arg5 : memref<125x16xf32, #tpu.memory_space<vmem>>) dst(%dma_wait3A_39 : memref<10240x16xf32, #tpu.memory_space<vmem_shared>>)
        tpu.yield
      }) : () -> ()
    }
    %scan3A_19 = arith.constant 80 : i32
    %barrier3A_20 = arith.constant 0 : index
    tpu.barrier barrier_id(%barrier3A_20)
    %mul3A_21 = arith.constant 640 : i32
    %mul3A_22 = arith.muli %arg1, %mul3A_21 : i32
    %mul3A_23 = arith.constant 640 : i32
    %mul3A_24 = arith.muli %arg1, %mul3A_23 : i32
    "tpu.region"() ({
      %run_scoped3A = tpu.sem_alloc : memref<!tpu.dma_semaphore, #tpu.memory_space<semaphore_mem>>
      %dma_start3A = arith.constant 0 : i32
      %dma_start3A_25 = tpu.memref_slice %arg3[%arg0, %mul3A_24, %dma_start3A] : memref<2x10240x16xf32, #tpu.memory_space<hbm>> -> memref<1x640x16xf32, #tpu.memory_space<hbm>>
      %dma_start3A_26 = tpu.memref_squeeze %dma_start3A_25 : memref<1x640x16xf32, #tpu.memory_space<hbm>> -> memref<640x16xf32, #tpu.memory_space<hbm>>
      %dma_start3A_27 = arith.constant 0 : i32
      %dma_start3A_28 = tpu.memref_slice %arg7[%mul3A_22, %dma_start3A_27] : memref<10240x16xf32, #tpu.memory_space<vmem_shared>> -> memref<640x16xf32, #tpu.memory_space<vmem_shared>>
      tpu.enqueue_dma source(%dma_start3A_28 : memref<640x16xf32, #tpu.memory_space<vmem_shared>>) target(%dma_start3A_26 : memref<640x16xf32, #tpu.memory_space<hbm>>) target_semaphore(%run_scoped3A : memref<!tpu.dma_semaphore, #tpu.memory_space<semaphore_mem>>)
      %dma_wait3A = arith.constant 0 : i32
      %dma_wait3A_29 = tpu.memref_slice %arg3[%arg0, %mul3A_24, %dma_wait3A] : memref<2x10240x16xf32, #tpu.memory_space<hbm>> -> memref<1x640x16xf32, #tpu.memory_space<hbm>>
      %dma_wait3A_30 = tpu.memref_squeeze %dma_wait3A_29 : memref<1x640x16xf32, #tpu.memory_space<hbm>> -> memref<640x16xf32, #tpu.memory_space<hbm>>
      %dma_wait3A_31 = arith.constant 0 : i32
      %dma_wait3A_32 = tpu.memref_slice %arg7[%mul3A_22, %dma_wait3A_31] : memref<10240x16xf32, #tpu.memory_space<vmem_shared>> -> memref<640x16xf32, #tpu.memory_space<vmem_shared>>
      tpu.wait_dma2 semaphore(%run_scoped3A : memref<!tpu.dma_semaphore, #tpu.memory_space<semaphore_mem>>) src(%dma_wait3A_32 : memref<640x16xf32, #tpu.memory_space<vmem_shared>>) dst(%dma_wait3A_30 : memref<640x16xf32, #tpu.memory_space<hbm>>)
      tpu.yield
    }) : () -> ()
    return
  }
}

module attributes {stable_mosaic.version = 14 : i64} {
  func.func @_scale_body(%arg0: i32, %arg1: memref<2000x128xf32, #tpu.memory_space<vmem>>, %arg2: memref<2000x16xf32, #tpu.memory_space<vmem>>, %arg3: memref<2000x16xf32, #tpu.memory_space<vmem>>, %arg4: memref<2000x64xf32, #tpu.memory_space<vmem>>, %arg5: memref<2000x64xf32, #tpu.memory_space<vmem>>) attributes {dimension_semantics = [#tpu.dimension_semantics<arbitrary>], iteration_bounds = array<i64: 5>, scalar_prefetch = 0 : i64, scratch_operands = 0 : i64, tpu.core_type = #tpu.core_type<tc>, window_params = [{transform_indices = @transform_0, window_bounds = array<i64: 2000, 128>}, {transform_indices = @transform_1, window_bounds = array<i64: 2000, 16>}, {transform_indices = @transform_2, window_bounds = array<i64: 2000, 16>}, {transform_indices = @transform_3, window_bounds = array<i64: 2000, 64>}, {transform_indices = @transform_4, window_bounds = array<i64: 2000, 64>}]} {
    %get3A = arith.constant 0 : index
    %get3A_0 = arith.constant 0 : index
    %get3A_1 = vector.load %arg2[%get3A, %get3A_0] : memref<2000x16xf32, #tpu.memory_space<vmem>>, vector<2000x1xf32>
    %get3A_2 = arith.constant 0 : index
    %get3A_3 = arith.constant 0 : index
    %get3A_4 = vector.load %arg3[%get3A_2, %get3A_3] : memref<2000x16xf32, #tpu.memory_space<vmem>>, vector<2000x1xf32>
    %add3A = arith.addf %get3A_1, %get3A_4 : vector<2000x1xf32>
    %gt3A = arith.constant 0.000000e+00 : f32
    %gt3A_5 = vector.broadcast %gt3A : f32 to vector<2000x1xf32>
    %gt3A_6 = arith.cmpf ogt, %add3A, %gt3A_5 : vector<2000x1xf32>
    %rsqrt3A = math.rsqrt %add3A : vector<2000x1xf32>
    %jit3A = arith.constant 0.000000e+00 : f32
    %broadcast_in_dim3A = vector.broadcast %jit3A : f32 to vector<2000x1xf32>
    %select_n3A = arith.select %gt3A_6, %rsqrt3A, %broadcast_in_dim3A : vector<2000x1xi1>, vector<2000x1xf32>
    %get3A_7 = arith.constant 0 : index
    %get3A_8 = arith.constant 0 : index
    %get3A_9 = vector.load %arg1[%get3A_7, %get3A_8] : memref<2000x128xf32, #tpu.memory_space<vmem>>, vector<2000x128xf32>
    %mul3A = vector.broadcast %select_n3A : vector<2000x1xf32> to vector<2000x128xf32>
    %mul3A_10 = arith.mulf %get3A_9, %mul3A : vector<2000x128xf32>
    %slice3A = vector.extract_strided_slice %mul3A_10 {offsets = [0, 0], sizes = [2000, 64], strides = [1, 1]} : vector<2000x128xf32> to vector<2000x64xf32>
    %swap3A = arith.constant 0 : index
    %swap3A_11 = arith.constant 0 : index
    %swap3A_12 = vector.load %arg4[%swap3A, %swap3A_11] : memref<2000x64xf32, #tpu.memory_space<vmem>>, vector<2000x64xf32>
    tpu.vector_store %arg4[%swap3A, %swap3A_11], %slice3A {strides = array<i32>} : memref<2000x64xf32, #tpu.memory_space<vmem>>, vector<2000x64xf32>,
    %slice3A_13 = vector.extract_strided_slice %mul3A_10 {offsets = [0, 64], sizes = [2000, 64], strides = [1, 1]} : vector<2000x128xf32> to vector<2000x64xf32>
    %swap3A_14 = arith.constant 0 : index
    %swap3A_15 = arith.constant 0 : index
    %swap3A_16 = vector.load %arg5[%swap3A_14, %swap3A_15] : memref<2000x64xf32, #tpu.memory_space<vmem>>, vector<2000x64xf32>
    tpu.vector_store %arg5[%swap3A_14, %swap3A_15], %slice3A_13 {strides = array<i32>} : memref<2000x64xf32, #tpu.memory_space<vmem>>, vector<2000x64xf32>,
    return
  }
  func.func @transform_0(%arg0: i32) -> (i32, i32) {
    %c0_i32 = arith.constant 0 : i32
    %c0_i32_0 = arith.constant 0 : i32
    return %arg0, %c0_i32 : i32, i32
  }
  func.func @transform_1(%arg0: i32) -> (i32, i32) {
    %c0_i32 = arith.constant 0 : i32
    %c0_i32_0 = arith.constant 0 : i32
    return %arg0, %c0_i32 : i32, i32
  }
  func.func @transform_2(%arg0: i32) -> (i32, i32) {
    %c0_i32 = arith.constant 0 : i32
    %c0_i32_0 = arith.constant 0 : i32
    return %arg0, %c0_i32 : i32, i32
  }
  func.func @transform_3(%arg0: i32) -> (i32, i32) {
    %c0_i32 = arith.constant 0 : i32
    %c0_i32_0 = arith.constant 0 : i32
    return %arg0, %c0_i32 : i32, i32
  }
  func.func @transform_4(%arg0: i32) -> (i32, i32) {
    %c0_i32 = arith.constant 0 : i32
    %c0_i32_0 = arith.constant 0 : i32
    return %arg0, %c0_i32 : i32, i32
  }
}

module attributes {stable_mosaic.version = 14 : i64} {
  func.func @_mlp_body(%arg0: i32, %arg1: memref<2000x128xf32, #tpu.memory_space<vmem>>, %arg2: memref<2000x64xf32, #tpu.memory_space<vmem>>, %arg3: memref<2000x64xf32, #tpu.memory_space<vmem>>, %arg4: memref<2000x16xf32, #tpu.memory_space<vmem>>, %arg5: memref<2000x16xf32, #tpu.memory_space<vmem>>, %arg6: memref<128x128xf32, #tpu.memory_space<vmem>>, %arg7: memref<1x128xf32, #tpu.memory_space<vmem>>, %arg8: memref<256x128xf32, #tpu.memory_space<vmem>>, %arg9: memref<1x128xf32, #tpu.memory_space<vmem>>, %arg10: memref<128x2xf32, #tpu.memory_space<vmem>>, %arg11: memref<1x2xf32, #tpu.memory_space<vmem>>, %arg12: memref<2000x2xf32, #tpu.memory_space<vmem>>) attributes {dimension_semantics = [#tpu.dimension_semantics<arbitrary>], iteration_bounds = array<i64: 5>, scalar_prefetch = 0 : i64, scratch_operands = 0 : i64, tpu.core_type = #tpu.core_type<tc>, window_params = [{transform_indices = @transform_0, window_bounds = array<i64: 2000, 128>}, {transform_indices = @transform_1, window_bounds = array<i64: 2000, 64>}, {transform_indices = @transform_2, window_bounds = array<i64: 2000, 64>}, {transform_indices = @transform_3, window_bounds = array<i64: 2000, 16>}, {transform_indices = @transform_4, window_bounds = array<i64: 2000, 16>}, {pipeline_mode = #tpu.pipeline_mode<synchronous>, transform_indices = @transform_5, window_bounds = array<i64: 128, 128>}, {pipeline_mode = #tpu.pipeline_mode<synchronous>, transform_indices = @transform_6, window_bounds = array<i64: 1, 128>}, {pipeline_mode = #tpu.pipeline_mode<synchronous>, transform_indices = @transform_7, window_bounds = array<i64: 256, 128>}, {pipeline_mode = #tpu.pipeline_mode<synchronous>, transform_indices = @transform_8, window_bounds = array<i64: 1, 128>}, {pipeline_mode = #tpu.pipeline_mode<synchronous>, transform_indices = @transform_9, window_bounds = array<i64: 128, 2>}, {pipeline_mode = #tpu.pipeline_mode<synchronous>, transform_indices = @transform_10, window_bounds = array<i64: 1, 2>}, {transform_indices = @transform_11, window_bounds = array<i64: 2000, 2>}]} {
    %get3A = arith.constant 0 : index
    %get3A_0 = arith.constant 0 : index
    %get3A_1 = vector.load %arg4[%get3A, %get3A_0] : memref<2000x16xf32, #tpu.memory_space<vmem>>, vector<2000x1xf32>
    %get3A_2 = arith.constant 0 : index
    %get3A_3 = arith.constant 0 : index
    %get3A_4 = vector.load %arg5[%get3A_2, %get3A_3] : memref<2000x16xf32, #tpu.memory_space<vmem>>, vector<2000x1xf32>
    %add3A = arith.addf %get3A_1, %get3A_4 : vector<2000x1xf32>
    %gt3A = arith.constant 0.000000e+00 : f32
    %gt3A_5 = vector.broadcast %gt3A : f32 to vector<2000x1xf32>
    %gt3A_6 = arith.cmpf ogt, %add3A, %gt3A_5 : vector<2000x1xf32>
    %rsqrt3A = math.rsqrt %add3A : vector<2000x1xf32>
    %jit3A = arith.constant 0.000000e+00 : f32
    %broadcast_in_dim3A = vector.broadcast %jit3A : f32 to vector<2000x1xf32>
    %select_n3A = arith.select %gt3A_6, %rsqrt3A, %broadcast_in_dim3A : vector<2000x1xi1>, vector<2000x1xf32>
    %get3A_7 = arith.constant 0 : index
    %get3A_8 = arith.constant 0 : index
    %get3A_9 = vector.load %arg2[%get3A_7, %get3A_8] : memref<2000x64xf32, #tpu.memory_space<vmem>>, vector<2000x64xf32>
    %mul3A = vector.broadcast %select_n3A : vector<2000x1xf32> to vector<2000x64xf32>
    %mul3A_10 = arith.mulf %get3A_9, %mul3A : vector<2000x64xf32>
    %get3A_11 = arith.constant 0 : index
    %get3A_12 = arith.constant 0 : index
    %get3A_13 = vector.load %arg3[%get3A_11, %get3A_12] : memref<2000x64xf32, #tpu.memory_space<vmem>>, vector<2000x64xf32>
    %mul3A_14 = vector.broadcast %select_n3A : vector<2000x1xf32> to vector<2000x64xf32>
    %mul3A_15 = arith.mulf %get3A_13, %mul3A_14 : vector<2000x64xf32>
    %get3A_16 = arith.constant 0 : index
    %get3A_17 = arith.constant 0 : index
    %get3A_18 = vector.load %arg6[%get3A_16, %get3A_17] : memref<128x128xf32, #tpu.memory_space<vmem>>, vector<64x128xf32>
    %dot_general3A = arith.constant dense<0.000000e+00> : vector<2000x128xf32>
    %dot_general3A_19 = tpu.matmul %mul3A_10, %get3A_18, %dot_general3A {dimension_numbers = #tpu.dot_dimension_numbers<[1], [0], [0], [1], [0, 0, 1, 1], [], []>, transpose_lhs_hint = false} : vector<2000x64xf32>, vector<64x128xf32>, vector<2000x128xf32> -> vector<2000x128xf32>
    %get3A_20 = arith.constant 64 : index
    %get3A_21 = arith.constant 0 : index
    %get3A_22 = vector.load %arg6[%get3A_20, %get3A_21] : memref<128x128xf32, #tpu.memory_space<vmem>>, vector<64x128xf32>
    %dot_general3A_23 = arith.constant dense<0.000000e+00> : vector<2000x128xf32>
    %dot_general3A_24 = tpu.matmul %mul3A_15, %get3A_22, %dot_general3A_23 {dimension_numbers = #tpu.dot_dimension_numbers<[1], [0], [0], [1], [0, 0, 1, 1], [], []>, transpose_lhs_hint = false} : vector<2000x64xf32>, vector<64x128xf32>, vector<2000x128xf32> -> vector<2000x128xf32>
    %add3A_25 = arith.addf %dot_general3A_19, %dot_general3A_24 : vector<2000x128xf32>
    %get3A_26 = arith.constant 0 : index
    %get3A_27 = arith.constant 0 : index
    %get3A_28 = vector.load %arg7[%get3A_26, %get3A_27] : memref<1x128xf32, #tpu.memory_space<vmem>>, vector<1x128xf32>
    %add3A_29 = vector.broadcast %get3A_28 : vector<1x128xf32> to vector<2000x128xf32>
    %add3A_30 = arith.addf %add3A_25, %add3A_29 : vector<2000x128xf32>
    %get3A_31 = arith.constant 0 : index
    %get3A_32 = arith.constant 0 : index
    %get3A_33 = vector.load %arg1[%get3A_31, %get3A_32] : memref<2000x128xf32, #tpu.memory_space<vmem>>, vector<2000x128xf32>
    %get3A_34 = arith.constant 0 : index
    %get3A_35 = arith.constant 0 : index
    %get3A_36 = vector.load %arg8[%get3A_34, %get3A_35] : memref<256x128xf32, #tpu.memory_space<vmem>>, vector<128x128xf32>
    %dot_general3A_37 = arith.constant dense<0.000000e+00> : vector<2000x128xf32>
    %dot_general3A_38 = tpu.matmul %get3A_33, %get3A_36, %dot_general3A_37 {dimension_numbers = #tpu.dot_dimension_numbers<[1], [0], [0], [1], [0, 0, 1, 1], [], []>, transpose_lhs_hint = false} : vector<2000x128xf32>, vector<128x128xf32>, vector<2000x128xf32> -> vector<2000x128xf32>
    %get3A_39 = arith.constant 128 : index
    %get3A_40 = arith.constant 0 : index
    %get3A_41 = vector.load %arg8[%get3A_39, %get3A_40] : memref<256x128xf32, #tpu.memory_space<vmem>>, vector<128x128xf32>
    %dot_general3A_42 = arith.constant dense<0.000000e+00> : vector<2000x128xf32>
    %dot_general3A_43 = tpu.matmul %add3A_30, %get3A_41, %dot_general3A_42 {dimension_numbers = #tpu.dot_dimension_numbers<[1], [0], [0], [1], [0, 0, 1, 1], [], []>, transpose_lhs_hint = false} : vector<2000x128xf32>, vector<128x128xf32>, vector<2000x128xf32> -> vector<2000x128xf32>
    %add3A_44 = arith.addf %dot_general3A_38, %dot_general3A_43 : vector<2000x128xf32>
    %get3A_45 = arith.constant 0 : index
    %get3A_46 = arith.constant 0 : index
    %get3A_47 = vector.load %arg9[%get3A_45, %get3A_46] : memref<1x128xf32, #tpu.memory_space<vmem>>, vector<1x128xf32>
    %add3A_48 = vector.broadcast %get3A_47 : vector<1x128xf32> to vector<2000x128xf32>
    %add3A_49 = arith.addf %add3A_44, %add3A_48 : vector<2000x128xf32>
    %max3A = arith.constant 0.000000e+00 : f32
    %max3A_50 = vector.broadcast %max3A : f32 to vector<2000x128xf32>
    %max3A_51 = arith.maximumf %add3A_49, %max3A_50 : vector<2000x128xf32>
    %get3A_52 = arith.constant 0 : index
    %get3A_53 = arith.constant 0 : index
    %get3A_54 = vector.load %arg10[%get3A_52, %get3A_53] : memref<128x2xf32, #tpu.memory_space<vmem>>, vector<128x2xf32>
    %dot_general3A_55 = arith.constant dense<0.000000e+00> : vector<2000x2xf32>
    %dot_general3A_56 = tpu.matmul %max3A_51, %get3A_54, %dot_general3A_55 {dimension_numbers = #tpu.dot_dimension_numbers<[1], [0], [0], [1], [0, 0, 1, 1], [], []>, transpose_lhs_hint = false} : vector<2000x128xf32>, vector<128x2xf32>, vector<2000x2xf32> -> vector<2000x2xf32>
    %get3A_57 = arith.constant 0 : index
    %get3A_58 = arith.constant 0 : index
    %get3A_59 = vector.load %arg11[%get3A_57, %get3A_58] : memref<1x2xf32, #tpu.memory_space<vmem>>, vector<1x2xf32>
    %add3A_60 = vector.broadcast %get3A_59 : vector<1x2xf32> to vector<2000x2xf32>
    %add3A_61 = arith.addf %dot_general3A_56, %add3A_60 : vector<2000x2xf32>
    %reduce_max3A = arith.constant dense<0xFF800000> : vector<2000xf32>
    %reduce_max3A_62 = vector.multi_reduction <maximumf>, %add3A_61, %reduce_max3A [1] : vector<2000x2xf32> to vector<2000xf32>
    %broadcast_in_dim3A_63 = vector.shape_cast %reduce_max3A_62 : vector<2000xf32> to vector<2000x1xf32>
    %sub3A = vector.broadcast %broadcast_in_dim3A_63 : vector<2000x1xf32> to vector<2000x2xf32>
    %sub3A_64 = arith.subf %add3A_61, %sub3A : vector<2000x2xf32>
    %exp3A = math.exp %sub3A_64 : vector<2000x2xf32>
    %reduce_sum3A = arith.constant dense<0.000000e+00> : vector<2000xf32>
    %reduce_sum3A_65 = vector.multi_reduction <add>, %exp3A, %reduce_sum3A [1] : vector<2000x2xf32> to vector<2000xf32>
    %broadcast_in_dim3A_66 = vector.shape_cast %reduce_sum3A_65 : vector<2000xf32> to vector<2000x1xf32>
    %log3A = math.log %broadcast_in_dim3A_66 : vector<2000x1xf32>
    %add3A_67 = arith.addf %broadcast_in_dim3A_63, %log3A : vector<2000x1xf32>
    %sub3A_68 = vector.broadcast %add3A_67 : vector<2000x1xf32> to vector<2000x2xf32>
    %sub3A_69 = arith.subf %add3A_61, %sub3A_68 : vector<2000x2xf32>
    %swap3A = arith.constant 0 : index
    %swap3A_70 = arith.constant 0 : index
    %swap3A_71 = vector.load %arg12[%swap3A, %swap3A_70] : memref<2000x2xf32, #tpu.memory_space<vmem>>, vector<2000x2xf32>
    tpu.vector_store %arg12[%swap3A, %swap3A_70], %sub3A_69 {strides = array<i32>} : memref<2000x2xf32, #tpu.memory_space<vmem>>, vector<2000x2xf32>,
    return
  }
  func.func @transform_0(%arg0: i32) -> (i32, i32) {
    %c0_i32 = arith.constant 0 : i32
    %c0_i32_0 = arith.constant 0 : i32
    return %arg0, %c0_i32 : i32, i32
  }
  func.func @transform_1(%arg0: i32) -> (i32, i32) {
    %c0_i32 = arith.constant 0 : i32
    %c0_i32_0 = arith.constant 0 : i32
    return %arg0, %c0_i32 : i32, i32
  }
  func.func @transform_2(%arg0: i32) -> (i32, i32) {
    %c0_i32 = arith.constant 0 : i32
    %c0_i32_0 = arith.constant 0 : i32
    return %arg0, %c0_i32 : i32, i32
  }
  func.func @transform_3(%arg0: i32) -> (i32, i32) {
    %c0_i32 = arith.constant 0 : i32
    %c0_i32_0 = arith.constant 0 : i32
    return %arg0, %c0_i32 : i32, i32
  }
  func.func @transform_4(%arg0: i32) -> (i32, i32) {
    %c0_i32 = arith.constant 0 : i32
    %c0_i32_0 = arith.constant 0 : i32
    return %arg0, %c0_i32 : i32, i32
  }
  func.func @transform_5(%arg0: i32) -> (i32, i32) {
    %c0_i32 = arith.constant 0 : i32
    %c0_i32_0 = arith.constant 0 : i32
    %c0_i32_1 = arith.constant 0 : i32
    return %c0_i32, %c0_i32_0 : i32, i32
  }
  func.func @transform_6(%arg0: i32) -> (i32, i32) {
    %c0_i32 = arith.constant 0 : i32
    %c0_i32_0 = arith.constant 0 : i32
    %c0_i32_1 = arith.constant 0 : i32
    return %c0_i32, %c0_i32_0 : i32, i32
  }
  func.func @transform_7(%arg0: i32) -> (i32, i32) {
    %c0_i32 = arith.constant 0 : i32
    %c0_i32_0 = arith.constant 0 : i32
    %c0_i32_1 = arith.constant 0 : i32
    return %c0_i32, %c0_i32_0 : i32, i32
  }
  func.func @transform_8(%arg0: i32) -> (i32, i32) {
    %c0_i32 = arith.constant 0 : i32
    %c0_i32_0 = arith.constant 0 : i32
    %c0_i32_1 = arith.constant 0 : i32
    return %c0_i32, %c0_i32_0 : i32, i32
  }
  func.func @transform_9(%arg0: i32) -> (i32, i32) {
    %c0_i32 = arith.constant 0 : i32
    %c0_i32_0 = arith.constant 0 : i32
    %c0_i32_1 = arith.constant 0 : i32
    return %c0_i32, %c0_i32_0 : i32, i32
  }
  func.func @transform_10(%arg0: i32) -> (i32, i32) {
    %c0_i32 = arith.constant 0 : i32
    %c0_i32_0 = arith.constant 0 : i32
    %c0_i32_1 = arith.constant 0 : i32
    return %c0_i32, %c0_i32_0 : i32, i32
  }
  func.func @transform_11(%arg0: i32) -> (i32, i32) {
    %c0_i32 = arith.constant 0 : i32
    %c0_i32_0 = arith.constant 0 : i32
    return %arg0, %c0_i32 : i32, i32
  }
}

</mosaic_0001>

<sc_bundles>
// kernel: kernel.6.cloned.1.call-start
scs
__scs_entry_jumppad:
0x0: {  	(pc) =	sbr.rel $0x88, $3  }
0x1: {  	(tag) =	ssettag $0x0;
	lr =	simm.s32 $0x1  }
0x2: {  	[smem:$0x3F99] =	sst lr;
	_ =	strace $0xD0000000  }
0x3: {  	_ = 	snop  }
0x4: {  	_ = 	snop  }
0x5: {  	_ = 	snop  }
0x6: {  	_ = 	snop  }
0x7: {  	_ = 	snop  }
__scs_overlays_trampoline_lowered:
0x8: {  	[smem:$0x3FA8] =	sst s0  }
0x9: {  	[smem:$0x3FA9] =	sst s1  }
0xa: {  	[smem:$0x3FAA] =	sst s2  }
0xb: {  	[smem:$0x3FAB] =	sst s3  }
0xc: {  	[smem:$0x3FAC] =	sst s4  }
0xd: {  	[smem:$0x3FAD] =	sst s5  }
0xe: {  	[smem:$0x3FAE] =	sst s6  }
0xf: {  	[smem:$0x3FAF] =	sst s7  }
0x10: {  	[smem:$0x3FB0] =	sst s8  }
0x11: {  	[smem:$0x3FB1] =	sst s9;
	s0 =	simm.s32 @!p0 $0x0  }
0x12: {  	s1 =	sld [smem:$0x3F97];
	s0 =	simm.s32 @p0 $0x1  }
0x13: {  	[smem:$0x3FB2] =	sst s0;
	s0 =	simm.s32 @!p1 $0x0  }
0x14: {  	s2 =	sld [smem:$0x3F96];
	s0 =	simm.s32 @p1 $0x1  }
0x15: {  	[smem:$0x3FB3] =	sst s0;
	s0 =	simm.s32 @!p2 $0x0  }
0x16: {  	s3 =	sld [smem:$0x3FDB];
	s0 =	simm.s32 @p2 $0x1  }
0x17: {  	s4 =	simm.s32 $0x1BF5;
	[smem:$0x3FB5] =	sst s0  }
0x18: {  	s0 =	sld [smem:$0x3F98];
	_ =	swait.ge [sflag:s4], $0x0  }
0x19: {  	s7 =	sld [smem:$0x3F99]  }
0x1a: {  	s8 =	sadd.s32 $0xFFFFE003, lr  }
0x1b: {  	s9 =	sadd.s32 $0xFFFFFEF7, lr;
	s5 =	simm.s32 $0xFFFFFFFF;
	p2 =	slt.u32 s8, $0xFFFFF086  }
0x1c: {  	p1 =	slt.u32 s9, $0xF7A;
	s5 =	simm.s32 @!p2 $0x0  }
0x1d: {  	s5 =	simm.s32 @p1 $0x1;
	p0 =	seq.s32 s7, s2  }
0x1e: {  	s7 =	smul.u32 @!p0 $0xF7A, s2;
	p2 =	seq.s32 @!p0 s5, $0x0  }
0x1f: {  	s9 =	smul.u32 $0xF7A, s1;
	s8 =	simm.s32 @!p0 $0x1BF5;
	p2 =	por !p2, p0  }
0x20: {  	[sflag:s8] =	ssyncset.s32 @!p0 $0xFFFFF086;
	s6 =	sadd.s32 @!p0 s3, s7;
	s7 =	simm.s32 @!p0 $0x108  }
0x21: {  	s3 =	sadd.s32 s3, s9;
	s6 =	sadd.s32 @!p0 $0x88, s6;
	s7 =	simm.s32 @p2 $0x1082  }
0x22: {  	[simem:s7], [sflag:s8] =	dma.local @!p0 [hbm:s6], $0xF7A  }
0x23: {  	s9 =	sor.u32 $0xD0000000, s2;
	s6 =	simm.s32 $0x108;
	_ =	swait.ge @!p0 [sflag:s8], $0x0  }
0x24: {  	s3 =	sadd.s32 $0x88, s3;
	s6 =	simm.s32 @!p1 $0x1082;
	[sflag:s4] =	ssyncset.s32 $0xFFFFF086  }
0x25: {  	[simem:s6], [sflag:s4] =	dma.local [hbm:s3], $0xF7A  }
0x26: {  	[smem:$0x3F99] =	sst s1;
	(tag) =	ssettag s2;
	_ =	strace s9  }
0x27: {  	s1 =	sld [smem:$0x3FA9]  }
0x28: {  	s2 =	sld [smem:$0x3FAA]  }
0x29: {  	s4 =	sld [smem:$0x3FAC]  }
0x2a: {  	p0 =	seq.s32 s5, $0x0;
	s5 =	sld [smem:$0x3FAD]  }
0x2b: {  	s6 =	sld [smem:$0x3FAE]  }
0x2c: {  	s7 =	sld [smem:$0x3FAF]  }
0x2d: {  	s3 =	simm.s32 $0x108;
	s8 =	sld [smem:$0x3FB0]  }
0x2e: {  	s3 =	simm.s32 @!p0 $0x1082;
	s9 =	sld [smem:$0x3FB1]  }
0x2f: {  	lr =	sadd.s32 s0, s3;
	s0 =	sld [smem:$0x3FA8]  }
0x30: {  	s3 =	sld [smem:$0x3FAB]  }
0x31: {  	[smem:$0x3FB4] =	sst s10  }
0x32: {  	s10 =	sld [smem:$0x3FB2];
	_ =	sdelay $0x3  }
0x33: {  	p0 =	seq.s32 s10, $0x1;
	s10 =	sld [smem:$0x3FB4];
	_ =	sdelay $0x3  }
0x34: {  	[smem:$0x3FB4] =	sst s10  }
0x35: {  	s10 =	sld [smem:$0x3FB3];
	_ =	sdelay $0x3  }
0x36: {  	p1 =	seq.s32 s10, $0x1;
	s10 =	sld [smem:$0x3FB4];
	_ =	sdelay $0x3  }
0x37: {  	[smem:$0x3FB4] =	sst s10  }
0x38: {  	s10 =	sld [smem:$0x3FB5]  }
0x39: {  	_ = 	snop;
	(pc) =	sbr.ind lr, $3  }
0x3a: {  	_ = 	snop  }
0x3b: {  	_ = 	snop  }
0x3c: {  	p2 =	seq.s32 s10, $0x1;
	s10 =	sld [smem:$0x3FB4]  }
0x3d: {  	_ =	shalt  }
0x3e: {  	_ =	shalt  }
0x3f: {  	_ =	shalt  }
0x40: {  	_ =	shalt  }
0x41: {  	_ =	shalt  }
0x42: {  	_ =	shalt  }
0x43: {  	_ =	shalt  }
0x44: {  	_ =	shalt  }
0x45: {  	_ =	shalt  }
0x46: {  	_ =	shalt  }
0x47: {  	_ =	shalt  }
0x48: {  	_ =	shalt  }
0x49: {  	_ =	shalt  }
0x4a: {  	_ =	shalt  }
0x4b: {  	_ =	shalt  }
0x4c: {  	_ =	shalt  }
0x4d: {  	_ =	shalt  }
0x4e: {  	_ =	shalt  }
0x4f: {  	_ =	shalt  }
0x50: {  	_ =	shalt  }
0x51: {  	_ =	shalt  }
0x52: {  	_ =	shalt  }
0x53: {  	_ =	shalt  }
0x54: {  	_ =	shalt  }
0x55: {  	_ =	shalt  }
0x56: {  	_ =	shalt  }
0x57: {  	_ =	shalt  }
0x58: {  	_ =	shalt  }
0x59: {  	_ =	shalt  }
0x5a: {  	_ =	shalt  }
0x5b: {  	_ =	shalt  }
0x5c: {  	_ =	shalt  }
0x5d: {  	_ =	shalt  }
0x5e: {  	_ =	shalt  }
0x5f: {  	_ =	shalt  }
0x60: {  	_ =	shalt  }
0x61: {  	_ =	shalt  }
0x62: {  	_ =	shalt  }
0x63: {  	_ =	shalt  }
0x64: {  	_ =	shalt  }
0x65: {  	_ =	shalt  }
0x66: {  	_ =	shalt  }
0x67: {  	_ =	shalt  }
0x68: {  	_ =	shalt  }
0x69: {  	_ =	shalt  }
0x6a: {  	_ =	shalt  }
0x6b: {  	_ =	shalt  }
0x6c: {  	_ =	shalt  }
0x6d: {  	_ =	shalt  }
0x6e: {  	_ =	shalt  }
0x6f: {  	_ =	shalt  }
0x70: {  	_ =	shalt  }
0x71: {  	_ =	shalt  }
0x72: {  	_ =	shalt  }
0x73: {  	_ =	shalt  }
0x74: {  	_ =	shalt  }
0x75: {  	_ =	shalt  }
0x76: {  	_ =	shalt  }
0x77: {  	_ =	shalt  }
0x78: {  	_ =	shalt  }
0x79: {  	_ =	shalt  }
0x7a: {  	_ =	shalt  }
0x7b: {  	_ =	shalt  }
0x7c: {  	_ =	shalt  }
0x7d: {  	_ =	shalt  }
0x7e: {  	_ =	shalt  }
0x7f: {  	_ =	shalt  }
0x80: {  	_ =	shalt  }
0x81: {  	_ =	shalt  }
0x82: {  	_ =	shalt  }
0x83: {  	_ =	shalt  }
0x84: {  	_ =	shalt  }
0x85: {  	_ =	shalt  }
0x86: {  	_ =	shalt  }
0x87: {  	_ =	shalt  }
.Lfunc_end0:
.L_simem_size_0:
called_computation_lowered:
.L_overlay_start_0:
0x88: {  	s2 =	sld [smem:$0x3FD9]  }
0x89: {  	s3 =	sld [smem:$0x3FFE];
	_ =	sdelay $0x1  }
0x8a: {  	s1 =	srdreg.scid  }
0x8b: {  	s0 =	sand.u32 $0x1, s1  }
0x8c: {  	s16 =	sshll.u32 s0, $0xA;
	s2 =	sadd.s32 s3, s2  }
0x8d: {  	s2 =	sadd.s32 s2, s16  }
0x8e: {  	[smem:$0x3FC0] =	sst s2  }
0x8f: {  	_ = 	snop  }
0x90: {  	(tm) =	ssettm $0x1  }
0x91: {  	s17 =	sld [smem:$0x3FFB];
	_ =	sdelay $0x3  }
0x92: {  	_ =	strace s17  }
0x93: {  	s2 =	sld [smem:$0x3FFC];
	_ =	sdelay $0x3  }
0x94: {  	_ =	strace s2  }
0x95: {  	s2 =	sld [smem:$0x3FFD];
	_ =	sdelay $0x3  }
0x96: {  	_ =	strace s2  }
0x97: {  	_ =	strace $0x8FFFFFFF  }
0x98: {  	s18 =	sld [smem:$0x3FDB];
	_ =	sdelay $0x1  }
0x99: {  	s19 =	simm.s32 $_scs_section_size  }
0x9a: {  	s4 =	simm.s32 $_size__tile_overlayer_lowered;
	s5 =	simm.s32 $_tile_overlayer_lowered  }
0x9b: {  	s22 =	simm.s32 $0x1BFF;
	s21 =	sshll.u32 s5, $0x1;
	s2 =	sadd.s32 s19, s18  }
0x9c: {  	s6 =	simm.s32 $0x0;
	s20 =	sshll.u32 s4, $0x1;
	s4 =	sadd.s32 s21, s2  }
0x9d: {  	[timem:s6], [sflag:s22] =	dma.local [hbm:s4], s20  }
0x9e: {  	_ =	swait.ge [sflag:s22], s20  }
0x9f: {  	s3 =	ssub.s32 $0x0, s20;
	[sflag:s22] =	ssyncset.done $0x0  }
0xa0: {  	[sflag:s22] =	ssyncadd.s32 s3;
	_ =	sdelay $0x1  }
0xa1: {  	s23 =	simm.s32 $0x1B8B  }
0xa2: {  	_ =	swait.ge [sflag:s23], $0x1  }
0xa3: {  	[sflag:s23] =	ssyncset.done $0x0  }
0xa4: {  	s25 =	simm.s32 $0x1B8E;
	s24 =	sld [smem:$0x3FFE];
	[sflag:s23] =	ssyncadd.s32 $0xFFFFFFFF  }
0xa5: {  	s26 =	simm.s32 $execute0_lowered;
	[smem:$0x3FD2] =	sst s25  }
0xa6: {  	s4 =	sshll.u32 s26, $0x1;
	_ =	strace $0x80000046;
	[dreg:$0x1] =	wrdreg $0xFFFFFFFF  }
0xa7: {  	s28 =	simm.s32 $_size_execute0_lowered;
	s2 =	sadd.s32 s2, s4;
	[dreg:$0x0] =	wrdreg $0x0  }
0xa8: {  	s4 =	sshll.u32 s28, $0x1;
	[dreg:$0x2] =	wrdreg s2  }
0xa9: {  	[dreg:$0x3] =	wrdreg s4  }
0xaa: {  	[dreg:$0x4] =	wrdreg $0xC0  }
0xab: {  	_ =	task [dreg:s6], $0x5FFFF  }
0xac: {  	[dreg:$0x1] =	wrdreg $0xFFFFFFFF  }
0xad: {  	[dreg:$0x0] =	wrdreg $0x60  }
0xae: {  	[dreg:$0x2] =	wrdreg s24  }
0xaf: {  	[dreg:$0x3] =	wrdreg $0x37D00  }
0xb0: {  	[dreg:$0x4] =	wrdreg $0x9  }
0xb1: {  	_ =	task.clear_ibuf [dreg:s6], $0x5FFFF;
	_ =	strace $0x90000046  }
0xb2: {  	s29 =	simm.s32 $0x9;
	_ =	strace $0x80000048  }
0xb3: {  	_ =	swait.ge [sflag:s29], $0x1  }
0xb4: {  	[sflag:s29] =	ssyncadd.s32 $0xFFFFFFFF  }
0xb5: {  	_ =	strace $0x90000048  }
0xb6: {  	_ =	sfence  }
0xb7: {  	s30 =	sld [smem:$0x0];
	_ =	sdelay $0x2  }
0xb8: {  	s31 =	sshll.u32 s1, $0xD;
	s1 =	sshrl.u32 s1, $0x2  }
0xb9: {  	s3 =	sand.u32 $0x4000, s31;
	s1 =	sadd.s32 s1, s30  }
0xba: {  	s0 =	sor.u32 s3, s0;
	s1 =	sshll.u32 s1, $0x11  }
0xbb: {  	s0 =	sor.u32 s1, s0  }
0xbc: {  	s0 =	sadd.s32 $0x8F2B, s0  }
0xbd: {  	[sflag:s0] =	ssyncadd.remote.s32 $0x1  }
0xbe: {  	_ =	sfence.sel $0xFFFF  }
0xbf: {  	[dreg:$0x0] =	wrdreg $0xFFFFFFFF;
	(pc) =	sbr.abs _section_cstart, $3  }
0xc0: {  	[dreg:$0x1] =	wrdreg $0xFFFFFFFF  }
0xc1: {  	_ =	task.clear_ibuf [dreg:s6], $0x2FFFF;
	_ =	strace $0x9FFFFFFF  }
0xc2: {  	(tm) =	ssettm $0x7FFFFFFF  }
0xc3: {  	_ =	shalt  }
tec
execute0_lowered:
.L_overlay_start_1:
0x0: {  	(tag) =	ssettag $0x1  }
0x1: {  	s1 =	srdreg.scid  }
0x2: {  	s0 =	stileid.u32;
	s5 =	rddreg [dreg:$0x0]  }
0x3: {  	s2 =	rddreg [dreg:$0x1];
	s3 =	simm.s32 $0x0;
	s12 =	simm.s32 $0x2FD0  }
0x4: {  	s13 =	simm.s32 $0x1;
	s14 =	simm.s32 $0x7D;
	s15 =	simm.s32 $0x2800  }
0x5: {  	s4 =	sand.u32 $0x1, s1;
	s31 =	sshll.u32 s0, $0x1;
	s8 =	smul.u32 $0x2800, s0  }
0x6: {  	[smem:$0x7FF] =	sst s3;
	s9 =	smul.u32 $0xA000, s0;
	s16 =	sshll.u32 s0, $0x6  }
0x7: {  	s1 =	sor.u32 s4, s31;
	s7 =	smul.u32 $0x28000, s4;
	s4 =	ssub.s32 $0x2, s4  }
0x8: {  	s16 =	sor.u32 $0x1C01, s16;
	s6 =	smul.u32 $0x500, s1;
	s1 =	rddreg [dreg:$0x2]  }
0x9: {  	_ =	strace $0x80000047;
	s10 =	sshrl.u32 s4, $0x1;
	s9 =	sshrl.u32 s9, $0x2  }
0xa: {  	s17 =	sadd.s32 s8, s2;
	s7 =	sadd.s32 s8, s7;
	s10 =	ssub.s32 s4, s10  }
0xb: {  	s4 =	sadd.s32 s9, s2;
	s17 =	sshrl.u32 s17, $0x3;
	s6 =	sadd.s32 s6, s5  }
0xc: {  	s7 =	sshrl.u32 s7, $0x3;
	s8 =	sadd.s32 $0x800, s4;
	s9 =	sadd.s32 $0x1000, s4  }
0xd: {  	s11 =	sadd.s32 $0x2000, s4;
	s7 =	sadd.s32 s7, s5;
	s5 =	sadd.s32 $0x2000, s6  }
0xe: {  	v0 =	vimm.f32 $1.000000000e+00;
	v1 =	vimm.f32 $0.0e+00;
	s6 =	sadd.s32 $0xC000, s7;
	s7 =	smax.u32 s10, $0x1;
	s10 =	sadd.s32 $0x1800, s4  }
.LBB2_1:
0xf: {  	s18 =	simm.s32 $0x0  }
.LBB2_2:
0x10: {  	p0 =	sne.s32 s18, $0x1F00  }
.Ltmp0:
0x11: {  	_ = 	snop;
	(pc) =	sbr.rel @p0 .LBB2_2-.Ltmp0, $3  }
0x12: {  	_ =	sdelay $0x1  }
0x13: {  	s19 =	sshra.s32 s18, $0x2  }
0x14: {  	s18 =	sadd.s32 $0x40, s18;
	[tilespmem:s19+$0x2800] =	vst v0  }
0x15: {  	s18 =	simm.s32 $0x40;
	s19 =	simm.s32 $0x0  }
.LBB2_4:
0x16: {  	p0 =	sne.s32 s18, $0x1FC0;
	[tilespmem:s19+$0x2FD0] =	vst v1;
	s19 =	smov.u32 s18;
	s18 =	sadd.s32 $0x40, s18  }
.Ltmp1:
0x17: {  	(pc) =	sbr.rel @p0 .LBB2_4-.Ltmp1, $2  }
0x18: {  	_ =	sdelay $0x2  }
0x19: {  	s19 =	sshra.s32 s19, $0x2  }
0x1a: {  	[tilespmem:s19+$0x2FD0] =	vst v1  }
0x1b: {  	[spmem:s4] =	stream.linear.scatter [tilespmem:s12], [sflag:$0x1], $0x800, $0x38;
	[tilespmem:$0x5FD0] =	vst v63  }
0x1c: {  	_ =	swait.ge [sflag:s13], $0x800  }
0x1d: {  	[sflag:s13] =	ssyncset.done $0x0  }
0x1e: {  	[sflag:s13] =	ssyncadd.s32 $0xFFFFF800  }
0x1f: {  	[spmem:s8] =	stream.linear.scatter [tilespmem:s12], [sflag:$0x1], $0x800, $0x38;
	[tilespmem:$0x5FD0] =	vst v63  }
0x20: {  	_ =	swait.ge [sflag:s13], $0x800  }
0x21: {  	[sflag:s13] =	ssyncset.done $0x0  }
0x22: {  	[sflag:s13] =	ssyncadd.s32 $0xFFFFF800  }
0x23: {  	[spmem:s9] =	stream.linear.scatter [tilespmem:s12], [sflag:$0x1], $0x800, $0x38;
	[tilespmem:$0x5FD0] =	vst v63  }
0x24: {  	_ =	swait.ge [sflag:s13], $0x800  }
0x25: {  	[sflag:s13] =	ssyncset.done $0x0  }
0x26: {  	[sflag:s13] =	ssyncadd.s32 $0xFFFFF800  }
0x27: {  	[spmem:s10] =	stream.linear.scatter [tilespmem:s12], [sflag:$0x1], $0x800, $0x38;
	[tilespmem:$0x5FD0] =	vst v63  }
0x28: {  	_ =	swait.ge [sflag:s13], $0x800  }
0x29: {  	[sflag:s13] =	ssyncset.done $0x0  }
0x2a: {  	[sflag:s13] =	ssyncadd.s32 $0xFFFFF800  }
0x2b: {  	[spmem:s11] =	stream.linear.scatter [tilespmem:s12], [sflag:$0x1], $0x800, $0x38;
	[tilespmem:$0x5FD0] =	vst v63  }
0x2c: {  	_ =	swait.ge [sflag:s13], $0x800  }
0x2d: {  	[sflag:s13] =	ssyncset.done $0x0  }
0x2e: {  	[sflag:s13] =	ssyncadd.s32 $0xFFFFF800  }
0x2f: {  	s18 =	simm.s32 $0x0;
	[bflag:$0x0] =	sbarrier.arrive $0xFFFF  }
0x30: {  	[tilespmem:s18], [sflag:$0x1] =	stream.linear.gather [hbm4b:s5+s18], $0x2800, $0x38;
	[tilespmem:$0x5FD0] =	vst v63  }
0x31: {  	_ =	swait.ge [sflag:s13], $0x2800  }
0x32: {  	[sflag:s13] =	ssyncset.done $0x0  }
0x33: {  	s31 =	simm.s32 $0x0;
	[sflag:s13] =	ssyncadd.s32 $0xFFFFD800  }
0x34: {  	[spmem:s2] =	stream.indirect.scatter.add.f32 [tilespmem:s15], [sflag:$0x1], $0x10, s31, s14, $0xb8;
	[tilespmem:$0x5FD0] =	vst v63  }
0x35: {  	_ =	swait.ge [sflag:s13], $0x7D0  }
0x36: {  	s18 =	simm.s32 $0x200;
	[sflag:s13] =	ssyncset.done $0x0  }
.LBB2_6:
0x37: {  	s19 =	sshra.s32 s18, $0x2;
	[sflag:s13] =	ssyncadd.s32 $0xFFFFF830;
	p0 =	sne.s32 s18, $0x9E00  }
0x38: {  	[spmem:s2] =	stream.indirect.scatter.add.f32 [tilespmem:s15], [sflag:$0x1], $0x10, s19, s14, $0xb8;
	[tilespmem:$0x5FD0] =	vst v63  }
.Ltmp2:
0x39: {  	_ = 	snop;
	(pc) =	sbr.rel @p0 .LBB2_6-.Ltmp2, $4  }
0x3a: {  	_ = 	snop  }
0x3b: {  	s18 =	sadd.s32 $0x200, s18  }
0x3c: {  	_ =	swait.ge [sflag:s13], $0x7D0  }
0x3d: {  	[sflag:s13] =	ssyncset.done $0x0  }
0x3e: {  	s3 =	sadd.s32 $0x1, s3  }
0x3f: {  	[sflag:s13] =	ssyncadd.s32 $0xFFFFF830;
	p0 =	sne.s32 s3, s7  }
.Ltmp3:
0x40: {  	[bflag:$0x0] =	sbarrier.arrive $0xFFFF;
	(pc) =	sbr.rel @p0 .LBB2_1-.Ltmp3, $4  }
0x41: {  	[hbm:s6], [sflag:s16] =	dma.local [spmem:s17], $0x500  }
0x42: {  	_ =	swait.ge [sflag:s13], $0x500  }
0x43: {  	[sflag:s13] =	ssyncset.done $0x0  }
0x44: {  	[sflag:s13] =	ssyncadd.s32 $0xFFFFFB00  }
0x45: {  	_ =	sfence.sel $0x180000  }
0x46: {  	[bflag:$0x0] =	sbarrier.arrive $0xFFFF  }
0x47: {  	p0 =	sne.s32 s0, $0x0;
	_ =	strace $0x90000047  }
0x48: {  	s0 =	sadd.s32 @!p0 $0x100000, s1;
	[bflag:$0x2] =	sbarrier.arrive $0xFFFF  }
0x49: {  	[sflag:s0] =	ssyncadd.tile.s32 @!p0 $0x1;
	_ =	shalt  }
.Lfunc_end2:
_tile_overlayer_lowered:
.L_overlay_start_2:
0x4a: {  	(tag) =	ssettag $0x2  }
0x4b: {  	s0 =	rddreg [dreg:$0x0];
	s2 =	stileid.u32  }
0x4c: {  	s1 =	rddreg [dreg:$0x1];
	p0 =	sne.s32 s2, $0x0  }
0x4d: {  	s3 =	rddreg [dreg:$0x2];
	[bflag:$0x3] =	sbarrier.arrive $0xFFFF;
	s2 =	simm.s32 @!p0 $0x1C01  }
0x4e: {  	[timem:s3], [sflag:s2] =	dma.local @!p0 [hbm:s0], s1  }
0x4f: {  	s0 =	simm.s32 @!p0 $0x1  }
0x50: {  	_ =	swait.ge @!p0 [sflag:s0], s1  }
0x51: {  	s1 =	ssub.s32 @!p0 $0x0, s1;
	[sflag:s0] =	ssyncset.done @!p0 $0x0  }
0x52: {  	[sflag:s0] =	ssyncadd.s32 @!p0 s1  }
0x53: {  	[bflag:$0x3] =	sbarrier.arrive $0xFFFF  }
0x54: {  	_ =	shalt  }

// kernel: kernel.9.cloned.1.call-start
scs
__scs_entry_jumppad:
0x0: {  	(pc) =	sbr.rel $0x88, $3  }
0x1: {  	(tag) =	ssettag $0x0;
	lr =	simm.s32 $0x1  }
0x2: {  	[smem:$0x3F99] =	sst lr;
	_ =	strace $0xD0000000  }
0x3: {  	_ = 	snop  }
0x4: {  	_ = 	snop  }
0x5: {  	_ = 	snop  }
0x6: {  	_ = 	snop  }
0x7: {  	_ = 	snop  }
__scs_overlays_trampoline_lowered:
0x8: {  	[smem:$0x3FA8] =	sst s0  }
0x9: {  	[smem:$0x3FA9] =	sst s1  }
0xa: {  	[smem:$0x3FAA] =	sst s2  }
0xb: {  	[smem:$0x3FAB] =	sst s3  }
0xc: {  	[smem:$0x3FAC] =	sst s4  }
0xd: {  	[smem:$0x3FAD] =	sst s5  }
0xe: {  	[smem:$0x3FAE] =	sst s6  }
0xf: {  	[smem:$0x3FAF] =	sst s7  }
0x10: {  	[smem:$0x3FB0] =	sst s8  }
0x11: {  	[smem:$0x3FB1] =	sst s9;
	s0 =	simm.s32 @!p0 $0x0  }
0x12: {  	s1 =	sld [smem:$0x3F97];
	s0 =	simm.s32 @p0 $0x1  }
0x13: {  	[smem:$0x3FB2] =	sst s0;
	s0 =	simm.s32 @!p1 $0x0  }
0x14: {  	s2 =	sld [smem:$0x3F96];
	s0 =	simm.s32 @p1 $0x1  }
0x15: {  	[smem:$0x3FB3] =	sst s0;
	s0 =	simm.s32 @!p2 $0x0  }
0x16: {  	s3 =	sld [smem:$0x3FDB];
	s0 =	simm.s32 @p2 $0x1  }
0x17: {  	s4 =	simm.s32 $0x1BF5;
	[smem:$0x3FB5] =	sst s0  }
0x18: {  	s0 =	sld [smem:$0x3F98];
	_ =	swait.ge [sflag:s4], $0x0  }
0x19: {  	s7 =	sld [smem:$0x3F99]  }
0x1a: {  	s8 =	sadd.s32 $0xFFFFE003, lr  }
0x1b: {  	s9 =	sadd.s32 $0xFFFFFEF7, lr;
	s5 =	simm.s32 $0xFFFFFFFF;
	p2 =	slt.u32 s8, $0xFFFFF086  }
0x1c: {  	p1 =	slt.u32 s9, $0xF7A;
	s5 =	simm.s32 @!p2 $0x0  }
0x1d: {  	s5 =	simm.s32 @p1 $0x1;
	p0 =	seq.s32 s7, s2  }
0x1e: {  	s7 =	smul.u32 @!p0 $0xF7A, s2;
	p2 =	seq.s32 @!p0 s5, $0x0  }
0x1f: {  	s9 =	smul.u32 $0xF7A, s1;
	s8 =	simm.s32 @!p0 $0x1BF5;
	p2 =	por !p2, p0  }
0x20: {  	[sflag:s8] =	ssyncset.s32 @!p0 $0xFFFFF086;
	s6 =	sadd.s32 @!p0 s3, s7;
	s7 =	simm.s32 @!p0 $0x108  }
0x21: {  	s3 =	sadd.s32 s3, s9;
	s6 =	sadd.s32 @!p0 $0x88, s6;
	s7 =	simm.s32 @p2 $0x1082  }
0x22: {  	[simem:s7], [sflag:s8] =	dma.local @!p0 [hbm:s6], $0xF7A  }
0x23: {  	s9 =	sor.u32 $0xD0000000, s2;
	s6 =	simm.s32 $0x108;
	_ =	swait.ge @!p0 [sflag:s8], $0x0  }
0x24: {  	s3 =	sadd.s32 $0x88, s3;
	s6 =	simm.s32 @!p1 $0x1082;
	[sflag:s4] =	ssyncset.s32 $0xFFFFF086  }
0x25: {  	[simem:s6], [sflag:s4] =	dma.local [hbm:s3], $0xF7A  }
0x26: {  	[smem:$0x3F99] =	sst s1;
	(tag) =	ssettag s2;
	_ =	strace s9  }
0x27: {  	s1 =	sld [smem:$0x3FA9]  }
0x28: {  	s2 =	sld [smem:$0x3FAA]  }
0x29: {  	s4 =	sld [smem:$0x3FAC]  }
0x2a: {  	p0 =	seq.s32 s5, $0x0;
	s5 =	sld [smem:$0x3FAD]  }
0x2b: {  	s6 =	sld [smem:$0x3FAE]  }
0x2c: {  	s7 =	sld [smem:$0x3FAF]  }
0x2d: {  	s3 =	simm.s32 $0x108;
	s8 =	sld [smem:$0x3FB0]  }
0x2e: {  	s3 =	simm.s32 @!p0 $0x1082;
	s9 =	sld [smem:$0x3FB1]  }
0x2f: {  	lr =	sadd.s32 s0, s3;
	s0 =	sld [smem:$0x3FA8]  }
0x30: {  	s3 =	sld [smem:$0x3FAB]  }
0x31: {  	[smem:$0x3FB4] =	sst s10  }
0x32: {  	s10 =	sld [smem:$0x3FB2];
	_ =	sdelay $0x3  }
0x33: {  	p0 =	seq.s32 s10, $0x1;
	s10 =	sld [smem:$0x3FB4];
	_ =	sdelay $0x3  }
0x34: {  	[smem:$0x3FB4] =	sst s10  }
0x35: {  	s10 =	sld [smem:$0x3FB3];
	_ =	sdelay $0x3  }
0x36: {  	p1 =	seq.s32 s10, $0x1;
	s10 =	sld [smem:$0x3FB4];
	_ =	sdelay $0x3  }
0x37: {  	[smem:$0x3FB4] =	sst s10  }
0x38: {  	s10 =	sld [smem:$0x3FB5]  }
0x39: {  	_ = 	snop;
	(pc) =	sbr.ind lr, $3  }
0x3a: {  	_ = 	snop  }
0x3b: {  	_ = 	snop  }
0x3c: {  	p2 =	seq.s32 s10, $0x1;
	s10 =	sld [smem:$0x3FB4]  }
0x3d: {  	_ =	shalt  }
0x3e: {  	_ =	shalt  }
0x3f: {  	_ =	shalt  }
0x40: {  	_ =	shalt  }
0x41: {  	_ =	shalt  }
0x42: {  	_ =	shalt  }
0x43: {  	_ =	shalt  }
0x44: {  	_ =	shalt  }
0x45: {  	_ =	shalt  }
0x46: {  	_ =	shalt  }
0x47: {  	_ =	shalt  }
0x48: {  	_ =	shalt  }
0x49: {  	_ =	shalt  }
0x4a: {  	_ =	shalt  }
0x4b: {  	_ =	shalt  }
0x4c: {  	_ =	shalt  }
0x4d: {  	_ =	shalt  }
0x4e: {  	_ =	shalt  }
0x4f: {  	_ =	shalt  }
0x50: {  	_ =	shalt  }
0x51: {  	_ =	shalt  }
0x52: {  	_ =	shalt  }
0x53: {  	_ =	shalt  }
0x54: {  	_ =	shalt  }
0x55: {  	_ =	shalt  }
0x56: {  	_ =	shalt  }
0x57: {  	_ =	shalt  }
0x58: {  	_ =	shalt  }
0x59: {  	_ =	shalt  }
0x5a: {  	_ =	shalt  }
0x5b: {  	_ =	shalt  }
0x5c: {  	_ =	shalt  }
0x5d: {  	_ =	shalt  }
0x5e: {  	_ =	shalt  }
0x5f: {  	_ =	shalt  }
0x60: {  	_ =	shalt  }
0x61: {  	_ =	shalt  }
0x62: {  	_ =	shalt  }
0x63: {  	_ =	shalt  }
0x64: {  	_ =	shalt  }
0x65: {  	_ =	shalt  }
0x66: {  	_ =	shalt  }
0x67: {  	_ =	shalt  }
0x68: {  	_ =	shalt  }
0x69: {  	_ =	shalt  }
0x6a: {  	_ =	shalt  }
0x6b: {  	_ =	shalt  }
0x6c: {  	_ =	shalt  }
0x6d: {  	_ =	shalt  }
0x6e: {  	_ =	shalt  }
0x6f: {  	_ =	shalt  }
0x70: {  	_ =	shalt  }
0x71: {  	_ =	shalt  }
0x72: {  	_ =	shalt  }
0x73: {  	_ =	shalt  }
0x74: {  	_ =	shalt  }
0x75: {  	_ =	shalt  }
0x76: {  	_ =	shalt  }
0x77: {  	_ =	shalt  }
0x78: {  	_ =	shalt  }
0x79: {  	_ =	shalt  }
0x7a: {  	_ =	shalt  }
0x7b: {  	_ =	shalt  }
0x7c: {  	_ =	shalt  }
0x7d: {  	_ =	shalt  }
0x7e: {  	_ =	shalt  }
0x7f: {  	_ =	shalt  }
0x80: {  	_ =	shalt  }
0x81: {  	_ =	shalt  }
0x82: {  	_ =	shalt  }
0x83: {  	_ =	shalt  }
0x84: {  	_ =	shalt  }
0x85: {  	_ =	shalt  }
0x86: {  	_ =	shalt  }
0x87: {  	_ =	shalt  }
.Lfunc_end0:
.L_simem_size_0:
called_computation.1_lowered:
.L_overlay_start_0:
0x88: {  	s2 =	sld [smem:$0x3FD9]  }
0x89: {  	s3 =	sld [smem:$0x3FFE];
	_ =	sdelay $0x1  }
0x8a: {  	s1 =	srdreg.scid  }
0x8b: {  	s0 =	sand.u32 $0x1, s1  }
0x8c: {  	s16 =	sshll.u32 s0, $0xA;
	s2 =	sadd.s32 s3, s2  }
0x8d: {  	s2 =	sadd.s32 s2, s16  }
0x8e: {  	[smem:$0x3FC0] =	sst s2  }
0x8f: {  	_ = 	snop  }
0x90: {  	(tm) =	ssettm $0x1  }
0x91: {  	s17 =	sld [smem:$0x3FFB];
	_ =	sdelay $0x3  }
0x92: {  	_ =	strace s17  }
0x93: {  	s2 =	sld [smem:$0x3FFC];
	_ =	sdelay $0x3  }
0x94: {  	_ =	strace s2  }
0x95: {  	s2 =	sld [smem:$0x3FFD];
	_ =	sdelay $0x3  }
0x96: {  	_ =	strace s2  }
0x97: {  	_ =	strace $0x8FFFFFFF  }
0x98: {  	s18 =	sld [smem:$0x3FDB];
	_ =	sdelay $0x1  }
0x99: {  	s19 =	simm.s32 $_scs_section_size  }
0x9a: {  	s4 =	simm.s32 $_size__tile_overlayer_lowered;
	s5 =	simm.s32 $_tile_overlayer_lowered  }
0x9b: {  	s22 =	simm.s32 $0x1BFF;
	s21 =	sshll.u32 s5, $0x1;
	s2 =	sadd.s32 s19, s18  }
0x9c: {  	s6 =	simm.s32 $0x0;
	s20 =	sshll.u32 s4, $0x1;
	s4 =	sadd.s32 s21, s2  }
0x9d: {  	[timem:s6], [sflag:s22] =	dma.local [hbm:s4], s20  }
0x9e: {  	_ =	swait.ge [sflag:s22], s20  }
0x9f: {  	s3 =	ssub.s32 $0x0, s20;
	[sflag:s22] =	ssyncset.done $0x0  }
0xa0: {  	[sflag:s22] =	ssyncadd.s32 s3;
	_ =	sdelay $0x1  }
0xa1: {  	s23 =	simm.s32 $0x1B8B  }
0xa2: {  	_ =	swait.ge [sflag:s23], $0x1  }
0xa3: {  	[sflag:s23] =	ssyncset.done $0x0  }
0xa4: {  	s25 =	simm.s32 $0x1B8E;
	s24 =	sld [smem:$0x3FFE];
	[sflag:s23] =	ssyncadd.s32 $0xFFFFFFFF  }
0xa5: {  	s26 =	simm.s32 $execute0_lowered;
	[smem:$0x3FD2] =	sst s25  }
0xa6: {  	s4 =	sshll.u32 s26, $0x1;
	_ =	strace $0x80000049;
	[dreg:$0x1] =	wrdreg $0xFFFFFFFF  }
0xa7: {  	s28 =	simm.s32 $_size_execute0_lowered;
	s2 =	sadd.s32 s2, s4;
	[dreg:$0x0] =	wrdreg $0x0  }
0xa8: {  	s4 =	sshll.u32 s28, $0x1;
	[dreg:$0x2] =	wrdreg s2  }
0xa9: {  	[dreg:$0x3] =	wrdreg s4  }
0xaa: {  	[dreg:$0x4] =	wrdreg $0xC0  }
0xab: {  	_ =	task [dreg:s6], $0x5FFFF  }
0xac: {  	[dreg:$0x1] =	wrdreg $0xFFFFFFFF  }
0xad: {  	[dreg:$0x0] =	wrdreg $0x60  }
0xae: {  	[dreg:$0x2] =	wrdreg s24  }
0xaf: {  	[dreg:$0x3] =	wrdreg $0x15C400  }
0xb0: {  	[dreg:$0x4] =	wrdreg $0x9  }
0xb1: {  	_ =	task.clear_ibuf [dreg:s6], $0x5FFFF;
	_ =	strace $0x90000049  }
0xb2: {  	s29 =	simm.s32 $0x9;
	_ =	strace $0x8000004B  }
0xb3: {  	_ =	swait.ge [sflag:s29], $0x1  }
0xb4: {  	[sflag:s29] =	ssyncadd.s32 $0xFFFFFFFF  }
0xb5: {  	_ =	strace $0x9000004B  }
0xb6: {  	_ =	sfence  }
0xb7: {  	s30 =	sld [smem:$0x0];
	_ =	sdelay $0x2  }
0xb8: {  	s31 =	sshll.u32 s1, $0xD;
	s1 =	sshrl.u32 s1, $0x2  }
0xb9: {  	s3 =	sand.u32 $0x4000, s31;
	s1 =	sadd.s32 s1, s30  }
0xba: {  	s0 =	sor.u32 s3, s0;
	s1 =	sshll.u32 s1, $0x11  }
0xbb: {  	s0 =	sor.u32 s1, s0  }
0xbc: {  	s0 =	sadd.s32 $0x8F2B, s0  }
0xbd: {  	[sflag:s0] =	ssyncadd.remote.s32 $0x1  }
0xbe: {  	_ =	sfence.sel $0xFFFF  }
0xbf: {  	[dreg:$0x0] =	wrdreg $0xFFFFFFFF;
	(pc) =	sbr.abs _section_cstart, $3  }
0xc0: {  	[dreg:$0x1] =	wrdreg $0xFFFFFFFF  }
0xc1: {  	_ =	task.clear_ibuf [dreg:s6], $0x2FFFF;
	_ =	strace $0x9FFFFFFF  }
0xc2: {  	(tm) =	ssettm $0x7FFFFFFF  }
0xc3: {  	_ =	shalt  }
tec
execute0_lowered:
.L_overlay_start_1:
0x0: {  	(tag) =	ssettag $0x1  }
0x1: {  	s0 =	rddreg [dreg:$0x0]  }
0x2: {  	s2 =	rddreg [dreg:$0x1];
	s3 =	simm.s32 $0x0  }
0x3: {  	s1 =	stileid.u32;
	s7 =	srdreg.scid;
	s17 =	simm.s32 $0x13C40  }
0x4: {  	s18 =	simm.s32 $0x3;
	s19 =	simm.s32 $0x5000;
	s20 =	simm.s32 $0x7D  }
0x5: {  	s21 =	simm.s32 $0xA000;
	s23 =	simm.s32 $0xBF40;
	s29 =	simm.s32 $0xFDC0  }
0x6: {  	s31 =	simm.s32 $0x11D00;
	s28 =	simm.s32 $0x2;
	s30 =	simm.s32 $0x0  }
0x7: {  	[smem:$0x7FF] =	sst s3;
	s6 =	smul.u32 $0xA00, s1;
	s4 =	sadd.s32 $0x2000, s0  }
0x8: {  	s5 =	sadd.s32 $0x7A000, s0;
	s7 =	sand.u32 $0x1, s7;
	s8 =	smul.u32 $0x28000, s1  }
0x9: {  	s9 =	sadd.s32 $0xA1A00, s0;
	s12 =	smul.u32 $0xA000, s1;
	_ =	strace $0x8000004A  }
0xa: {  	[dreg:$0x3] =	wrdreg s9;
	s24 =	ssub.s32 $0x2, s7;
	p0 =	seq.s32 s7, $0x1  }
0xb: {  	s6 =	sadd.s32 s6, s0;
	s0 =	sadd.s32 $0x8DA00, s0;
	s25 =	sshrl.u32 s24, $0x1  }
0xc: {  	s8 =	sshrl.u32 s8, $0x2;
	s11 =	sshrl.u32 s12, $0x3;
	s26 =	sadd.s32 s12, s2  }
.Ltmp0:
0xd: {  	[dreg:$0x4] =	wrdreg s0;
	s0 =	ssub.s32 s24, s25;
	(pc) =	sbr.rel .LBB2_1-.Ltmp0, $4  }
0xe: {  	s8 =	sadd.s32 s8, s2;
	s9 =	sadd.s32 $0x16000, s6;
	s10 =	sadd.s32 $0x20000, s6  }
0xf: {  	s25 =	sshrl.u32 s26, $0x3;
	s26 =	simm.s32 $0xDE80;
	s24 =	simm.s32 $0x5200  }
0x10: {  	s12 =	smax.u32 s0, $0x1;
	s13 =	sadd.s32 $0x2000, s8;
	s14 =	sadd.s32 $0x4000, s8  }
0x11: {  	v0 =	vimm.f32 $0.0e+00;
	s15 =	sadd.s32 $0x6000, s8;
	s16 =	sadd.s32 $0x8000, s8;
	s0 =	simm.s32 $0x1  }
.LBB2_6:
0x12: {  	[spmem:s2] =	stream.indirect.scatter.add.f32 [tilespmem:s31], [sflag:$0x2], $0x40, s7, s20, $0xb8;
	[tilespmem:$0x1FC40] =	vst v63  }
0x13: {  	s6 =	rddreg [dreg:$0x3]  }
.LBB2_10:
0x14: {  	_ =	swait.ge [sflag:s28], $0x1F40  }
0x15: {  	[sflag:s28] =	ssyncset.done $0x0  }
0x16: {  	[sflag:s28] =	ssyncadd.s32 $0xFFFFE0C0  }
0x17: {  	_ =	swait.ge [sflag:s28], $0x1F40  }
0x18: {  	[sflag:s28] =	ssyncset.done $0x0  }
0x19: {  	[sflag:s28] =	ssyncadd.s32 $0xFFFFE0C0  }
0x1a: {  	_ =	swait.ge [sflag:s28], $0x1F40  }
0x1b: {  	[sflag:s28] =	ssyncset.done $0x0  }
0x1c: {  	[sflag:s28] =	ssyncadd.s32 $0xFFFFE0C0  }
0x1d: {  	_ =	swait.ge [sflag:s28], $0x1F40  }
0x1e: {  	[sflag:s28] =	ssyncset.done $0x0  }
0x1f: {  	[sflag:s28] =	ssyncadd.s32 $0xFFFFE0C0  }
0x20: {  	_ =	swait.ge [sflag:s28], $0x1F40  }
0x21: {  	s7 =	sshll.u32 s1, $0x6;
	s30 =	sadd.s32 $0x1, s30;
	[sflag:s28] =	ssyncset.done $0x0  }
0x22: {  	s6 =	sadd.s32 s6, s11;
	p1 =	sne.s32 s30, s12;
	[sflag:s28] =	ssyncadd.s32 $0xFFFFE0C0  }
.Ltmp1:
0x23: {  	s7 =	sor.u32 $0x1C03, s7;
	[bflag:$0x0] =	sbarrier.arrive $0xFFFF;
	(pc) =	sbr.rel @!p1 .LBB2_11-.Ltmp1, $4  }
0x24: {  	[hbm:s6], [sflag:s7] =	dma.local [spmem:s25], $0x1400  }
0x25: {  	_ =	swait.ge [sflag:s18], $0x1400  }
0x26: {  	[sflag:s18] =	ssyncset.done $0x0  }
0x27: {  	[sflag:s18] =	ssyncadd.s32 $0xFFFFEC00  }
.LBB2_1:
0x28: {  	s7 =	simm.s32 $0x100;
	s6 =	simm.s32 $0x0  }
.LBB2_2:
0x29: {  	p1 =	sne.s32 s7, $0x7F00;
	[tilespmem:s6+$0x13C70] =	vst v0;
	s22 =	smov.u32 s7;
	s7 =	sadd.s32 $0x100, s7  }
.Ltmp2:
0x2a: {  	[tilespmem:s6+$0x13C60] =	vst v0;
	(pc) =	sbr.rel @p1 .LBB2_2-.Ltmp2, $3  }
0x2b: {  	[tilespmem:s6+$0x13C40] =	vst v0  }
0x2c: {  	[tilespmem:s6+$0x13C50] =	vst v0;
	_ =	sdelay $0x1  }
0x2d: {  	s6 =	sshra.s32 s22, $0x2  }
0x2e: {  	[tilespmem:s6+$0x13C70] =	vst v0  }
0x2f: {  	[tilespmem:s6+$0x13C60] =	vst v0  }
0x30: {  	[tilespmem:s6+$0x13C40] =	vst v0  }
0x31: {  	[tilespmem:s6+$0x13C50] =	vst v0  }
0x32: {  	[spmem:s8] =	stream.linear.scatter [tilespmem:s17], [sflag:$0x3], $0x2000, $0x38;
	[tilespmem:$0x1FC40] =	vst v63  }
0x33: {  	_ =	swait.ge [sflag:s18], $0x2000  }
0x34: {  	[sflag:s18] =	ssyncset.done $0x0  }
0x35: {  	[sflag:s18] =	ssyncadd.s32 $0xFFFFE000  }
0x36: {  	[spmem:s13] =	stream.linear.scatter [tilespmem:s17], [sflag:$0x3], $0x2000, $0x38;
	[tilespmem:$0x1FC40] =	vst v63  }
0x37: {  	_ =	swait.ge [sflag:s18], $0x2000  }
0x38: {  	[sflag:s18] =	ssyncset.done $0x0  }
0x39: {  	[sflag:s18] =	ssyncadd.s32 $0xFFFFE000  }
0x3a: {  	[spmem:s14] =	stream.linear.scatter [tilespmem:s17], [sflag:$0x3], $0x2000, $0x38;
	[tilespmem:$0x1FC40] =	vst v63  }
0x3b: {  	_ =	swait.ge [sflag:s18], $0x2000  }
0x3c: {  	[sflag:s18] =	ssyncset.done $0x0  }
0x3d: {  	[sflag:s18] =	ssyncadd.s32 $0xFFFFE000  }
0x3e: {  	[spmem:s15] =	stream.linear.scatter [tilespmem:s17], [sflag:$0x3], $0x2000, $0x38;
	[tilespmem:$0x1FC40] =	vst v63  }
0x3f: {  	_ =	swait.ge [sflag:s18], $0x2000  }
0x40: {  	[sflag:s18] =	ssyncset.done $0x0  }
0x41: {  	[sflag:s18] =	ssyncadd.s32 $0xFFFFE000  }
0x42: {  	[spmem:s16] =	stream.linear.scatter [tilespmem:s17], [sflag:$0x3], $0x2000, $0x38;
	[tilespmem:$0x1FC40] =	vst v63  }
0x43: {  	_ =	swait.ge [sflag:s18], $0x2000  }
0x44: {  	[sflag:s18] =	ssyncset.done $0x0  }
0x45: {  	[sflag:s18] =	ssyncadd.s32 $0xFFFFE000  }
0x46: {  	[tilespmem:s3], [sflag:$0x3] =	stream.linear.gather [hbm4b:s9+s3], $0x5000, $0x38;
	[tilespmem:$0x1FC40] =	vst v63  }
0x47: {  	_ =	swait.ge [sflag:s18], $0x5000  }
0x48: {  	[sflag:s18] =	ssyncset.done $0x0  }
0x49: {  	[sflag:s18] =	ssyncadd.s32 $0xFFFFB000  }
0x4a: {  	[tilespmem:s19], [sflag:$0x3] =	stream.linear.gather [hbm4b:s10+s3], $0x5000, $0x38;
	[tilespmem:$0x1FC40] =	vst v63  }
.Ltmp3:
0x4b: {  	_ =	swait.ge [sflag:s18], $0x5000;
	(pc) =	sbr.rel @!p0 .LBB2_4-.Ltmp3, $4  }
0x4c: {  	[sflag:s18] =	ssyncset.done $0x0  }
0x4d: {  	[sflag:s18] =	ssyncadd.s32 $0xFFFFB000  }
0x4e: {  	[bflag:$0x0] =	sbarrier.arrive $0xFFFF  }
0x4f: {  	s6 =	simm.s32 $0x0  }
0x50: {  	[tilespmem:s21], [sflag:$0x1] =	stream.indirect.gather [hbm4b:s5+s20], $0x40, s6, s20, $0xb8;
	[tilespmem:$0x1FC40] =	vst v63  }
0x51: {  	s7 =	simm.s32 $0x80  }
0x52: {  	[tilespmem:s23], [sflag:$0x1] =	stream.indirect.gather [hbm4b:s5+s20], $0x40, s7, s20, $0xb8;
	[tilespmem:$0x1FC40] =	vst v63  }
0x53: {  	s22 =	simm.s32 $0x100  }
0x54: {  	[tilespmem:s26], [sflag:$0x1] =	stream.indirect.gather [hbm4b:s5+s20], $0x40, s22, s20, $0xb8;
	[tilespmem:$0x1FC40] =	vst v63  }
0x55: {  	s7 =	simm.s32 $0x180  }
0x56: {  	[tilespmem:s29], [sflag:$0x1] =	stream.indirect.gather [hbm4b:s5+s20], $0x40, s7, s20, $0xb8;
	[tilespmem:$0x1FC40] =	vst v63  }
0x57: {  	s22 =	simm.s32 $0x200  }
0x58: {  	[tilespmem:s31], [sflag:$0x1] =	stream.indirect.gather [hbm4b:s5+s20], $0x40, s22, s20, $0xb8;
	[tilespmem:$0x1FC40] =	vst v63  }
0x59: {  	_ =	swait.ge [sflag:s0], $0x1F40  }
0x5a: {  	[sflag:s0] =	ssyncset.done $0x0  }
0x5b: {  	[sflag:s0] =	ssyncadd.s32 $0xFFFFE0C0  }
0x5c: {  	[spmem:s2] =	stream.indirect.scatter.add.f32 [tilespmem:s21], [sflag:$0x2], $0x40, s19, s20, $0xb8;
	[tilespmem:$0x1FC40] =	vst v63  }
0x5d: {  	_ =	swait.ge [sflag:s0], $0x1F40  }
0x5e: {  	[sflag:s0] =	ssyncset.done $0x0  }
0x5f: {  	s7 =	simm.s32 $0x5080;
	[sflag:s0] =	ssyncadd.s32 $0xFFFFE0C0  }
0x60: {  	[spmem:s2] =	stream.indirect.scatter.add.f32 [tilespmem:s23], [sflag:$0x2], $0x40, s7, s20, $0xb8;
	[tilespmem:$0x1FC40] =	vst v63  }
0x61: {  	_ =	swait.ge [sflag:s0], $0x1F40  }
0x62: {  	[sflag:s0] =	ssyncset.done $0x0  }
0x63: {  	s22 =	simm.s32 $0x5100;
	[sflag:s0] =	ssyncadd.s32 $0xFFFFE0C0  }
0x64: {  	[spmem:s2] =	stream.indirect.scatter.add.f32 [tilespmem:s26], [sflag:$0x2], $0x40, s22, s20, $0xb8;
	[tilespmem:$0x1FC40] =	vst v63  }
0x65: {  	_ =	swait.ge [sflag:s0], $0x1F40  }
0x66: {  	[sflag:s0] =	ssyncset.done $0x0  }
0x67: {  	s7 =	simm.s32 $0x5180;
	[sflag:s0] =	ssyncadd.s32 $0xFFFFE0C0  }
0x68: {  	[spmem:s2] =	stream.indirect.scatter.add.f32 [tilespmem:s29], [sflag:$0x2], $0x40, s7, s20, $0xb8;
	[tilespmem:$0x1FC40] =	vst v63  }
0x69: {  	_ =	swait.ge [sflag:s0], $0x1F40  }
0x6a: {  	[sflag:s0] =	ssyncset.done $0x0  }
0x6b: {  	[sflag:s0] =	ssyncadd.s32 $0xFFFFE0C0  }
0x6c: {  	[spmem:s2] =	stream.indirect.scatter.add.f32 [tilespmem:s31], [sflag:$0x2], $0x40, s24, s20, $0xb8;
	[tilespmem:$0x1FC40] =	vst v63  }
0x6d: {  	_ =	swait.ge [sflag:s28], $0x1F40  }
0x6e: {  	[sflag:s28] =	ssyncset.done $0x0  }
0x6f: {  	s22 =	simm.s32 $0x280;
	[sflag:s28] =	ssyncadd.s32 $0xFFFFE0C0  }
0x70: {  	[tilespmem:s21], [sflag:$0x1] =	stream.indirect.gather [hbm4b:s5+s20], $0x40, s22, s20, $0xb8;
	[tilespmem:$0x1FC40] =	vst v63  }
0x71: {  	_ =	swait.ge [sflag:s28], $0x1F40  }
0x72: {  	[sflag:s28] =	ssyncset.done $0x0  }
0x73: {  	s7 =	simm.s32 $0x300;
	[sflag:s28] =	ssyncadd.s32 $0xFFFFE0C0  }
0x74: {  	[tilespmem:s23], [sflag:$0x1] =	stream.indirect.gather [hbm4b:s5+s20], $0x40, s7, s20, $0xb8;
	[tilespmem:$0x1FC40] =	vst v63  }
0x75: {  	_ =	swait.ge [sflag:s28], $0x1F40  }
0x76: {  	[sflag:s28] =	ssyncset.done $0x0  }
0x77: {  	s22 =	simm.s32 $0x380;
	[sflag:s28] =	ssyncadd.s32 $0xFFFFE0C0  }
0x78: {  	[tilespmem:s26], [sflag:$0x1] =	stream.indirect.gather [hbm4b:s5+s20], $0x40, s22, s20, $0xb8;
	[tilespmem:$0x1FC40] =	vst v63  }
0x79: {  	_ =	swait.ge [sflag:s28], $0x1F40  }
0x7a: {  	[sflag:s28] =	ssyncset.done $0x0  }
0x7b: {  	s7 =	simm.s32 $0x400;
	[sflag:s28] =	ssyncadd.s32 $0xFFFFE0C0  }
0x7c: {  	[tilespmem:s29], [sflag:$0x1] =	stream.indirect.gather [hbm4b:s5+s20], $0x40, s7, s20, $0xb8;
	[tilespmem:$0x1FC40] =	vst v63  }
0x7d: {  	_ =	swait.ge [sflag:s28], $0x1F40  }
0x7e: {  	[sflag:s28] =	ssyncset.done $0x0  }
0x7f: {  	s22 =	simm.s32 $0x480;
	[sflag:s28] =	ssyncadd.s32 $0xFFFFE0C0  }
0x80: {  	[tilespmem:s31], [sflag:$0x1] =	stream.indirect.gather [hbm4b:s5+s20], $0x40, s22, s20, $0xb8;
	[tilespmem:$0x1FC40] =	vst v63  }
0x81: {  	_ =	swait.ge [sflag:s0], $0x1F40  }
0x82: {  	[sflag:s0] =	ssyncset.done $0x0  }
0x83: {  	s7 =	simm.s32 $0x5280;
	[sflag:s0] =	ssyncadd.s32 $0xFFFFE0C0  }
0x84: {  	[spmem:s2] =	stream.indirect.scatter.add.f32 [tilespmem:s21], [sflag:$0x2], $0x40, s7, s20, $0xb8;
	[tilespmem:$0x1FC40] =	vst v63  }
0x85: {  	_ =	swait.ge [sflag:s0], $0x1F40  }
0x86: {  	[sflag:s0] =	ssyncset.done $0x0  }
0x87: {  	s22 =	simm.s32 $0x5300;
	[sflag:s0] =	ssyncadd.s32 $0xFFFFE0C0  }
0x88: {  	[spmem:s2] =	stream.indirect.scatter.add.f32 [tilespmem:s23], [sflag:$0x2], $0x40, s22, s20, $0xb8;
	[tilespmem:$0x1FC40] =	vst v63  }
0x89: {  	_ =	swait.ge [sflag:s0], $0x1F40  }
0x8a: {  	[sflag:s0] =	ssyncset.done $0x0  }
0x8b: {  	s7 =	simm.s32 $0x5380;
	[sflag:s0] =	ssyncadd.s32 $0xFFFFE0C0  }
0x8c: {  	[spmem:s2] =	stream.indirect.scatter.add.f32 [tilespmem:s26], [sflag:$0x2], $0x40, s7, s20, $0xb8;
	[tilespmem:$0x1FC40] =	vst v63  }
0x8d: {  	_ =	swait.ge [sflag:s0], $0x1F40  }
0x8e: {  	[sflag:s0] =	ssyncset.done $0x0  }
0x8f: {  	s22 =	simm.s32 $0x5400;
	[sflag:s0] =	ssyncadd.s32 $0xFFFFE0C0  }
0x90: {  	[spmem:s2] =	stream.indirect.scatter.add.f32 [tilespmem:s29], [sflag:$0x2], $0x40, s22, s20, $0xb8;
	[tilespmem:$0x1FC40] =	vst v63  }
0x91: {  	_ =	swait.ge [sflag:s0], $0x1F40  }
0x92: {  	[sflag:s0] =	ssyncset.done $0x0  }
0x93: {  	s6 =	simm.s32 $0xA00;
	s7 =	simm.s32 $0x5480;
	[sflag:s0] =	ssyncadd.s32 $0xFFFFE0C0  }
.LBB2_8:
0x94: {  	[spmem:s2] =	stream.indirect.scatter.add.f32 [tilespmem:s31], [sflag:$0x2], $0x40, s7, s20, $0xb8;
	[tilespmem:$0x1FC40] =	vst v63  }
0x95: {  	s7 =	smov.u32 s6  }
0x96: {  	p1 =	sne.s32 s6, $0x12C00;
	s6 =	sadd.s32 $0xA00, s6;
	_ =	swait.ge [sflag:s28], $0x1F40  }
0x97: {  	s7 =	sshra.s32 s7, $0x2;
	[sflag:s28] =	ssyncset.done $0x0  }
0x98: {  	s22 =	sadd.s32 $0x280, s7;
	[sflag:s28] =	ssyncadd.s32 $0xFFFFE0C0  }
0x99: {  	[tilespmem:s21], [sflag:$0x1] =	stream.indirect.gather [hbm4b:s5+s20], $0x40, s22, s20, $0xb8;
	[tilespmem:$0x1FC40] =	vst v63  }
0x9a: {  	_ =	swait.ge [sflag:s28], $0x1F40  }
0x9b: {  	[sflag:s28] =	ssyncset.done $0x0  }
0x9c: {  	s22 =	sadd.s32 $0x300, s7;
	[sflag:s28] =	ssyncadd.s32 $0xFFFFE0C0  }
0x9d: {  	[tilespmem:s23], [sflag:$0x1] =	stream.indirect.gather [hbm4b:s5+s20], $0x40, s22, s20, $0xb8;
	[tilespmem:$0x1FC40] =	vst v63  }
0x9e: {  	_ =	swait.ge [sflag:s28], $0x1F40  }
0x9f: {  	[sflag:s28] =	ssyncset.done $0x0  }
0xa0: {  	s22 =	sadd.s32 $0x380, s7;
	[sflag:s28] =	ssyncadd.s32 $0xFFFFE0C0  }
0xa1: {  	[tilespmem:s26], [sflag:$0x1] =	stream.indirect.gather [hbm4b:s5+s20], $0x40, s22, s20, $0xb8;
	[tilespmem:$0x1FC40] =	vst v63  }
0xa2: {  	_ =	swait.ge [sflag:s28], $0x1F40  }
0xa3: {  	[sflag:s28] =	ssyncset.done $0x0  }
0xa4: {  	s22 =	sadd.s32 $0x400, s7;
	[sflag:s28] =	ssyncadd.s32 $0xFFFFE0C0  }
0xa5: {  	[tilespmem:s29], [sflag:$0x1] =	stream.indirect.gather [hbm4b:s5+s20], $0x40, s22, s20, $0xb8;
	[tilespmem:$0x1FC40] =	vst v63  }
0xa6: {  	_ =	swait.ge [sflag:s28], $0x1F40  }
0xa7: {  	[sflag:s28] =	ssyncset.done $0x0  }
0xa8: {  	s22 =	sadd.s32 $0x480, s7;
	[sflag:s28] =	ssyncadd.s32 $0xFFFFE0C0  }
0xa9: {  	[tilespmem:s31], [sflag:$0x1] =	stream.indirect.gather [hbm4b:s5+s20], $0x40, s22, s20, $0xb8;
	[tilespmem:$0x1FC40] =	vst v63  }
0xaa: {  	_ =	swait.ge [sflag:s0], $0x1F40  }
0xab: {  	[sflag:s0] =	ssyncset.done $0x0  }
0xac: {  	s22 =	sadd.s32 $0x5280, s7;
	[sflag:s0] =	ssyncadd.s32 $0xFFFFE0C0  }
0xad: {  	[spmem:s2] =	stream.indirect.scatter.add.f32 [tilespmem:s21], [sflag:$0x2], $0x40, s22, s20, $0xb8;
	[tilespmem:$0x1FC40] =	vst v63  }
0xae: {  	_ =	swait.ge [sflag:s0], $0x1F40  }
0xaf: {  	[sflag:s0] =	ssyncset.done $0x0  }
0xb0: {  	s22 =	sadd.s32 $0x5300, s7;
	[sflag:s0] =	ssyncadd.s32 $0xFFFFE0C0  }
0xb1: {  	[spmem:s2] =	stream.indirect.scatter.add.f32 [tilespmem:s23], [sflag:$0x2], $0x40, s22, s20, $0xb8;
	[tilespmem:$0x1FC40] =	vst v63  }
0xb2: {  	_ =	swait.ge [sflag:s0], $0x1F40  }
0xb3: {  	[sflag:s0] =	ssyncset.done $0x0  }
0xb4: {  	s22 =	sadd.s32 $0x5380, s7;
	[sflag:s0] =	ssyncadd.s32 $0xFFFFE0C0  }
0xb5: {  	[spmem:s2] =	stream.indirect.scatter.add.f32 [tilespmem:s26], [sflag:$0x2], $0x40, s22, s20, $0xb8;
	[tilespmem:$0x1FC40] =	vst v63  }
0xb6: {  	_ =	swait.ge [sflag:s0], $0x1F40  }
0xb7: {  	[sflag:s0] =	ssyncset.done $0x0  }
.Ltmp4:
0xb8: {  	s22 =	sadd.s32 $0x5400, s7;
	[sflag:s0] =	ssyncadd.s32 $0xFFFFE0C0;
	(pc) =	sbr.rel @p1 .LBB2_8-.Ltmp4, $4  }
0xb9: {  	[spmem:s2] =	stream.indirect.scatter.add.f32 [tilespmem:s29], [sflag:$0x2], $0x40, s22, s20, $0xb8;
	[tilespmem:$0x1FC40] =	vst v63  }
0xba: {  	_ =	swait.ge [sflag:s0], $0x1F40  }
0xbb: {  	[sflag:s0] =	ssyncset.done $0x0  }
0xbc: {  	s7 =	sadd.s32 $0x5480, s7;
	[sflag:s0] =	ssyncadd.s32 $0xFFFFE0C0  }
.Ltmp5:
0xbd: {  	(pc) =	sbr.rel .LBB2_10-.Ltmp5, $3  }
0xbe: {  	_ =	sdelay $0x1  }
0xbf: {  	[spmem:s2] =	stream.indirect.scatter.add.f32 [tilespmem:s31], [sflag:$0x2], $0x40, s7, s20, $0xb8;
	[tilespmem:$0x1FC40] =	vst v63  }
0xc0: {  	s6 =	rddreg [dreg:$0x4]  }
.LBB2_4:
0xc1: {  	[tilespmem:s21], [sflag:$0x1] =	stream.indirect.gather [hbm4b:s4+s20], $0x40, s6, s20, $0xb8;
	[tilespmem:$0x1FC40] =	vst v63  }
0xc2: {  	s7 =	simm.s32 $0x80  }
0xc3: {  	[tilespmem:s23], [sflag:$0x1] =	stream.indirect.gather [hbm4b:s4+s20], $0x40, s7, s20, $0xb8;
	[tilespmem:$0x1FC40] =	vst v63  }
0xc4: {  	s22 =	simm.s32 $0x100  }
0xc5: {  	[tilespmem:s26], [sflag:$0x1] =	stream.indirect.gather [hbm4b:s4+s20], $0x40, s22, s20, $0xb8;
	[tilespmem:$0x1FC40] =	vst v63  }
0xc6: {  	s7 =	simm.s32 $0x180  }
0xc7: {  	[tilespmem:s29], [sflag:$0x1] =	stream.indirect.gather [hbm4b:s4+s20], $0x40, s7, s20, $0xb8;
	[tilespmem:$0x1FC40] =	vst v63  }
0xc8: {  	s22 =	simm.s32 $0x200  }
0xc9: {  	[tilespmem:s31], [sflag:$0x1] =	stream.indirect.gather [hbm4b:s4+s20], $0x40, s22, s20, $0xb8;
	[tilespmem:$0x1FC40] =	vst v63  }
0xca: {  	_ =	swait.ge [sflag:s0], $0x1F40  }
0xcb: {  	[sflag:s0] =	ssyncset.done $0x0  }
0xcc: {  	[sflag:s0] =	ssyncadd.s32 $0xFFFFE0C0  }
0xcd: {  	[spmem:s2] =	stream.indirect.scatter.add.f32 [tilespmem:s21], [sflag:$0x2], $0x40, s19, s20, $0xb8;
	[tilespmem:$0x1FC40] =	vst v63  }
0xce: {  	_ =	swait.ge [sflag:s0], $0x1F40  }
0xcf: {  	[sflag:s0] =	ssyncset.done $0x0  }
0xd0: {  	s7 =	simm.s32 $0x5080;
	[sflag:s0] =	ssyncadd.s32 $0xFFFFE0C0  }
0xd1: {  	[spmem:s2] =	stream.indirect.scatter.add.f32 [tilespmem:s23], [sflag:$0x2], $0x40, s7, s20, $0xb8;
	[tilespmem:$0x1FC40] =	vst v63  }
0xd2: {  	_ =	swait.ge [sflag:s0], $0x1F40  }
0xd3: {  	[sflag:s0] =	ssyncset.done $0x0  }
0xd4: {  	s22 =	simm.s32 $0x5100;
	[sflag:s0] =	ssyncadd.s32 $0xFFFFE0C0  }
0xd5: {  	[spmem:s2] =	stream.indirect.scatter.add.f32 [tilespmem:s26], [sflag:$0x2], $0x40, s22, s20, $0xb8;
	[tilespmem:$0x1FC40] =	vst v63  }
0xd6: {  	_ =	swait.ge [sflag:s0], $0x1F40  }
0xd7: {  	[sflag:s0] =	ssyncset.done $0x0  }
0xd8: {  	s7 =	simm.s32 $0x5180;
	[sflag:s0] =	ssyncadd.s32 $0xFFFFE0C0  }
0xd9: {  	[spmem:s2] =	stream.indirect.scatter.add.f32 [tilespmem:s29], [sflag:$0x2], $0x40, s7, s20, $0xb8;
	[tilespmem:$0x1FC40] =	vst v63  }
0xda: {  	_ =	swait.ge [sflag:s0], $0x1F40  }
0xdb: {  	[sflag:s0] =	ssyncset.done $0x0  }
0xdc: {  	[sflag:s0] =	ssyncadd.s32 $0xFFFFE0C0  }
0xdd: {  	[spmem:s2] =	stream.indirect.scatter.add.f32 [tilespmem:s31], [sflag:$0x2], $0x40, s24, s20, $0xb8;
	[tilespmem:$0x1FC40] =	vst v63  }
0xde: {  	_ =	swait.ge [sflag:s28], $0x1F40  }
0xdf: {  	[sflag:s28] =	ssyncset.done $0x0  }
0xe0: {  	s22 =	simm.s32 $0x280;
	[sflag:s28] =	ssyncadd.s32 $0xFFFFE0C0  }
0xe1: {  	[tilespmem:s21], [sflag:$0x1] =	stream.indirect.gather [hbm4b:s4+s20], $0x40, s22, s20, $0xb8;
	[tilespmem:$0x1FC40] =	vst v63  }
0xe2: {  	_ =	swait.ge [sflag:s28], $0x1F40  }
0xe3: {  	[sflag:s28] =	ssyncset.done $0x0  }
0xe4: {  	s7 =	simm.s32 $0x300;
	[sflag:s28] =	ssyncadd.s32 $0xFFFFE0C0  }
0xe5: {  	[tilespmem:s23], [sflag:$0x1] =	stream.indirect.gather [hbm4b:s4+s20], $0x40, s7, s20, $0xb8;
	[tilespmem:$0x1FC40] =	vst v63  }
0xe6: {  	_ =	swait.ge [sflag:s28], $0x1F40  }
0xe7: {  	[sflag:s28] =	ssyncset.done $0x0  }
0xe8: {  	s22 =	simm.s32 $0x380;
	[sflag:s28] =	ssyncadd.s32 $0xFFFFE0C0  }
0xe9: {  	[tilespmem:s26], [sflag:$0x1] =	stream.indirect.gather [hbm4b:s4+s20], $0x40, s22, s20, $0xb8;
	[tilespmem:$0x1FC40] =	vst v63  }
0xea: {  	_ =	swait.ge [sflag:s28], $0x1F40  }
0xeb: {  	[sflag:s28] =	ssyncset.done $0x0  }
0xec: {  	s7 =	simm.s32 $0x400;
	[sflag:s28] =	ssyncadd.s32 $0xFFFFE0C0  }
0xed: {  	[tilespmem:s29], [sflag:$0x1] =	stream.indirect.gather [hbm4b:s4+s20], $0x40, s7, s20, $0xb8;
	[tilespmem:$0x1FC40] =	vst v63  }
0xee: {  	_ =	swait.ge [sflag:s28], $0x1F40  }
0xef: {  	[sflag:s28] =	ssyncset.done $0x0  }
0xf0: {  	s22 =	simm.s32 $0x480;
	[sflag:s28] =	ssyncadd.s32 $0xFFFFE0C0  }
0xf1: {  	[tilespmem:s31], [sflag:$0x1] =	stream.indirect.gather [hbm4b:s4+s20], $0x40, s22, s20, $0xb8;
	[tilespmem:$0x1FC40] =	vst v63  }
0xf2: {  	_ =	swait.ge [sflag:s0], $0x1F40  }
0xf3: {  	[sflag:s0] =	ssyncset.done $0x0  }
0xf4: {  	s7 =	simm.s32 $0x5280;
	[sflag:s0] =	ssyncadd.s32 $0xFFFFE0C0  }
0xf5: {  	[spmem:s2] =	stream.indirect.scatter.add.f32 [tilespmem:s21], [sflag:$0x2], $0x40, s7, s20, $0xb8;
	[tilespmem:$0x1FC40] =	vst v63  }
0xf6: {  	_ =	swait.ge [sflag:s0], $0x1F40  }
0xf7: {  	[sflag:s0] =	ssyncset.done $0x0  }
0xf8: {  	s22 =	simm.s32 $0x5300;
	[sflag:s0] =	ssyncadd.s32 $0xFFFFE0C0  }
0xf9: {  	[spmem:s2] =	stream.indirect.scatter.add.f32 [tilespmem:s23], [sflag:$0x2], $0x40, s22, s20, $0xb8;
	[tilespmem:$0x1FC40] =	vst v63  }
0xfa: {  	_ =	swait.ge [sflag:s0], $0x1F40  }
0xfb: {  	[sflag:s0] =	ssyncset.done $0x0  }
0xfc: {  	s7 =	simm.s32 $0x5380;
	[sflag:s0] =	ssyncadd.s32 $0xFFFFE0C0  }
0xfd: {  	[spmem:s2] =	stream.indirect.scatter.add.f32 [tilespmem:s26], [sflag:$0x2], $0x40, s7, s20, $0xb8;
	[tilespmem:$0x1FC40] =	vst v63  }
0xfe: {  	_ =	swait.ge [sflag:s0], $0x1F40  }
0xff: {  	[sflag:s0] =	ssyncset.done $0x0  }
0x100: {  	s22 =	simm.s32 $0x5400;
	[sflag:s0] =	ssyncadd.s32 $0xFFFFE0C0  }
0x101: {  	[spmem:s2] =	stream.indirect.scatter.add.f32 [tilespmem:s29], [sflag:$0x2], $0x40, s22, s20, $0xb8;
	[tilespmem:$0x1FC40] =	vst v63  }
0x102: {  	_ =	swait.ge [sflag:s0], $0x1F40  }
0x103: {  	[sflag:s0] =	ssyncset.done $0x0  }
0x104: {  	s6 =	simm.s32 $0xA00;
	s7 =	simm.s32 $0x5480;
	[sflag:s0] =	ssyncadd.s32 $0xFFFFE0C0  }
.LBB2_5:
0x105: {  	[spmem:s2] =	stream.indirect.scatter.add.f32 [tilespmem:s31], [sflag:$0x2], $0x40, s7, s20, $0xb8;
	[tilespmem:$0x1FC40] =	vst v63  }
0x106: {  	s7 =	smov.u32 s6  }
0x107: {  	p1 =	seq.s32 s6, $0x12C00;
	s6 =	sadd.s32 $0xA00, s6;
	_ =	swait.ge [sflag:s28], $0x1F40  }
0x108: {  	s7 =	sshra.s32 s7, $0x2;
	[sflag:s28] =	ssyncset.done $0x0  }
0x109: {  	s22 =	sadd.s32 $0x280, s7;
	[sflag:s28] =	ssyncadd.s32 $0xFFFFE0C0  }
0x10a: {  	[tilespmem:s21], [sflag:$0x1] =	stream.indirect.gather [hbm4b:s4+s20], $0x40, s22, s20, $0xb8;
	[tilespmem:$0x1FC40] =	vst v63  }
0x10b: {  	_ =	swait.ge [sflag:s28], $0x1F40  }
0x10c: {  	[sflag:s28] =	ssyncset.done $0x0  }
0x10d: {  	s22 =	sadd.s32 $0x300, s7;
	[sflag:s28] =	ssyncadd.s32 $0xFFFFE0C0  }
0x10e: {  	[tilespmem:s23], [sflag:$0x1] =	stream.indirect.gather [hbm4b:s4+s20], $0x40, s22, s20, $0xb8;
	[tilespmem:$0x1FC40] =	vst v63  }
0x10f: {  	_ =	swait.ge [sflag:s28], $0x1F40  }
0x110: {  	[sflag:s28] =	ssyncset.done $0x0  }
0x111: {  	s22 =	sadd.s32 $0x380, s7;
	[sflag:s28] =	ssyncadd.s32 $0xFFFFE0C0  }
0x112: {  	[tilespmem:s26], [sflag:$0x1] =	stream.indirect.gather [hbm4b:s4+s20], $0x40, s22, s20, $0xb8;
	[tilespmem:$0x1FC40] =	vst v63  }
0x113: {  	_ =	swait.ge [sflag:s28], $0x1F40  }
0x114: {  	[sflag:s28] =	ssyncset.done $0x0  }
0x115: {  	s22 =	sadd.s32 $0x400, s7;
	[sflag:s28] =	ssyncadd.s32 $0xFFFFE0C0  }
0x116: {  	[tilespmem:s29], [sflag:$0x1] =	stream.indirect.gather [hbm4b:s4+s20], $0x40, s22, s20, $0xb8;
	[tilespmem:$0x1FC40] =	vst v63  }
0x117: {  	_ =	swait.ge [sflag:s28], $0x1F40  }
0x118: {  	[sflag:s28] =	ssyncset.done $0x0  }
0x119: {  	s22 =	sadd.s32 $0x480, s7;
	[sflag:s28] =	ssyncadd.s32 $0xFFFFE0C0  }
0x11a: {  	[tilespmem:s31], [sflag:$0x1] =	stream.indirect.gather [hbm4b:s4+s20], $0x40, s22, s20, $0xb8;
	[tilespmem:$0x1FC40] =	vst v63  }
0x11b: {  	_ =	swait.ge [sflag:s0], $0x1F40  }
0x11c: {  	[sflag:s0] =	ssyncset.done $0x0  }
0x11d: {  	s22 =	sadd.s32 $0x5280, s7;
	[sflag:s0] =	ssyncadd.s32 $0xFFFFE0C0  }
0x11e: {  	[spmem:s2] =	stream.indirect.scatter.add.f32 [tilespmem:s21], [sflag:$0x2], $0x40, s22, s20, $0xb8;
	[tilespmem:$0x1FC40] =	vst v63  }
0x11f: {  	_ =	swait.ge [sflag:s0], $0x1F40  }
0x120: {  	[sflag:s0] =	ssyncset.done $0x0  }
0x121: {  	s22 =	sadd.s32 $0x5300, s7;
	[sflag:s0] =	ssyncadd.s32 $0xFFFFE0C0  }
0x122: {  	[spmem:s2] =	stream.indirect.scatter.add.f32 [tilespmem:s23], [sflag:$0x2], $0x40, s22, s20, $0xb8;
	[tilespmem:$0x1FC40] =	vst v63  }
0x123: {  	_ =	swait.ge [sflag:s0], $0x1F40  }
0x124: {  	[sflag:s0] =	ssyncset.done $0x0  }
0x125: {  	s22 =	sadd.s32 $0x5380, s7;
	[sflag:s0] =	ssyncadd.s32 $0xFFFFE0C0  }
0x126: {  	[spmem:s2] =	stream.indirect.scatter.add.f32 [tilespmem:s26], [sflag:$0x2], $0x40, s22, s20, $0xb8;
	[tilespmem:$0x1FC40] =	vst v63  }
0x127: {  	_ =	swait.ge [sflag:s0], $0x1F40  }
0x128: {  	[sflag:s0] =	ssyncset.done $0x0  }
.Ltmp6:
0x129: {  	s22 =	sadd.s32 $0x5400, s7;
	[sflag:s0] =	ssyncadd.s32 $0xFFFFE0C0;
	(pc) =	sbr.rel @!p1 .LBB2_5-.Ltmp6, $4  }
0x12a: {  	[spmem:s2] =	stream.indirect.scatter.add.f32 [tilespmem:s29], [sflag:$0x2], $0x40, s22, s20, $0xb8;
	[tilespmem:$0x1FC40] =	vst v63  }
0x12b: {  	_ =	swait.ge [sflag:s0], $0x1F40  }
0x12c: {  	[sflag:s0] =	ssyncset.done $0x0  }
0x12d: {  	s7 =	sadd.s32 $0x5480, s7;
	[sflag:s0] =	ssyncadd.s32 $0xFFFFE0C0  }
.Ltmp7:
0x12e: {  	_ = 	snop;
	(pc) =	sbr.rel .LBB2_6-.Ltmp7, $1  }
0x12f: {  	_ =	sdelay $0x3  }
.LBB2_11:
0x130: {  	_ =	sfence.sel $0x180000  }
0x131: {  	[bflag:$0x0] =	sbarrier.arrive $0xFFFF  }
0x132: {  	_ =	strace $0x9000004A  }
0x133: {  	[bflag:$0x2] =	sbarrier.arrive $0xFFFF  }
0x134: {  	p0 =	sne.s32 s1, $0x0;
	s0 =	rddreg [dreg:$0x2]  }
0x135: {  	s0 =	sadd.s32 @!p0 $0x100000, s0  }
0x136: {  	[sflag:s0] =	ssyncadd.tile.s32 @!p0 $0x1;
	_ =	shalt  }
.Lfunc_end2:
_tile_overlayer_lowered:
.L_overlay_start_2:
0x137: {  	(tag) =	ssettag $0x2  }
0x138: {  	s0 =	rddreg [dreg:$0x0];
	s2 =	stileid.u32  }
0x139: {  	s1 =	rddreg [dreg:$0x1];
	p0 =	sne.s32 s2, $0x0  }
0x13a: {  	s3 =	rddreg [dreg:$0x2];
	[bflag:$0x3] =	sbarrier.arrive $0xFFFF;
	s2 =	simm.s32 @!p0 $0x1C03  }
0x13b: {  	[timem:s3], [sflag:s2] =	dma.local @!p0 [hbm:s0], s1  }
0x13c: {  	s0 =	simm.s32 @!p0 $0x3  }
0x13d: {  	_ =	swait.ge @!p0 [sflag:s0], s1  }
0x13e: {  	s1 =	ssub.s32 @!p0 $0x0, s1;
	[sflag:s0] =	ssyncset.done @!p0 $0x0  }
0x13f: {  	[sflag:s0] =	ssyncadd.s32 @!p0 s1  }
0x140: {  	[bflag:$0x3] =	sbarrier.arrive $0xFFFF  }
0x141: {  	_ =	shalt  }

</sc_bundles>
